<compile_context>
chip_gen: v7x
topology: tpu7x:2x2x1
jax: 0.10.2.dev20260603
libtpu: 0.0.44.dev20260713+nightly
codegen_flags: <defaults>
</compile_context>

<pallas_src>
import functools
import math

import jax
import jax.numpy as jnp
import numpy as np
from jax import lax
from jax.experimental import pallas as pl
from jax.experimental.pallas import tpu as pltpu
from jax.experimental.pallas import tpu_sc as plsc

_RCR = 5.2
_RCA = 3.5
_ETA_R = 16.0
_ETA_A = 8.0
_SHFR = np.array([0.9, 1.16875, 1.4375, 1.70625, 1.975, 2.24375, 2.5125,
                  2.78125, 3.05, 3.31875, 3.5875, 3.85625, 4.125, 4.39375,
                  4.6625, 4.93125], dtype=np.float32)
_SHFA = np.array([0.9, 1.55, 2.2, 2.85], dtype=np.float32)
_SHFZ = np.array([0.19634954, 0.58904862, 0.9817477, 1.3744468, 1.7671459,
                  2.1598449, 2.552544, 2.9452431], dtype=np.float32)
_NSP = 4
_RAD_LEN = 64
_ANG_LEN = 320
_NCAP = 32
_L = 16
_PAD = 16

_COS_COEF = (1.0000000000, -0.499999995, 4.16666419e-02, -1.38884324e-03,
             2.47637706e-05, -2.61150239e-07)


def _vrsqrt(x):
    i = plsc.bitcast(x, jnp.int32)
    y = plsc.bitcast(jnp.int32(0x5F3759DF) - (i >> 1), jnp.float32)
    for _ in range(3):
        y = y * (1.5 - 0.5 * x * y * y)
    return y


def _fc_vec(d, rc):
    y = d * (math.pi / (2.0 * rc))
    u = y * y
    p = jnp.full((_L,), _COS_COEF[-1], jnp.float32)
    for c in _COS_COEF[-2::-1]:
        p = p * u + c
    return p * p


def _sget(ref, i):
    return ref[pl.ds(i, _L)][0]


def _sget2(ref, i, j):
    return ref[i, pl.ds(j, _L)][0]


def _aev_body(x_hbm, y_hbm, z_hbm, sp_hbm, shfr_hbm, cz_hbm, sz_hbm, sa_hbm,
              out_r_hbm, out_a_hbm,
              xv, yv, zv, spv, shfr_v, cz_v, sz_v, sa_v,
              rad_v, ang_v, nb_d, nb_j,
              a_d, a_fc, a_dx, a_dy, a_dz, a_sp, cnt_v):
    num_mols = x_hbm.shape[0]
    natoms = x_hbm.shape[1]
    nchunks = natoms // _L
    mols_per_w = num_mols // 32

    wid = lax.axis_index("s") * 2 + lax.axis_index("c")

    pltpu.sync_copy(shfr_hbm, shfr_v)
    pltpu.sync_copy(cz_hbm, cz_v)
    pltpu.sync_copy(sz_hbm, sz_v)
    pltpu.sync_copy(sa_hbm, sa_v)

    zero16 = jnp.zeros((_L,), jnp.float32)
    lane_iota = lax.iota(jnp.int32, _L)
    rcr2 = jnp.float32(_RCR * _RCR)
    rca = jnp.float32(_RCA)

    def mol_body(m, carry):
        mol = wid * mols_per_w + m
        for src, dst in ((x_hbm, xv), (y_hbm, yv), (z_hbm, zv)):
            pltpu.sync_copy(src.at[mol], dst.at[pl.ds(0, natoms)])
        pltpu.sync_copy(sp_hbm.at[mol], spv.at[pl.ds(0, natoms)])

        def zrow(i, c2):
            for c in range(_RAD_LEN // _L):
                rad_v[i, pl.ds(c * _L, _L)] = zero16
            for c in range(_ANG_LEN // _L):
                ang_v[i, pl.ds(c * _L, _L)] = zero16
            return c2
        lax.fori_loop(0, natoms, zrow, 0)

        def sweep(i, c2):
            xi = _sget(xv, i)
            yi = _sget(yv, i)
            zi = _sget(zv, i)
            row_i = jnp.full((_L,), i, jnp.int32)

            def chunk(c, cnt):
                base = c * _L
                xs = xv[pl.ds(base, _L)]
                ys = yv[pl.ds(base, _L)]
                zs = zv[pl.ds(base, _L)]
                dx = xi - xs
                dy = yi - ys
                dz = zi - zs
                d2 = dx * dx + dy * dy + dz * dz
                jids = lane_iota + base
                msk = (d2 <= rcr2) & (jids != i)
                r = _vrsqrt(jnp.maximum(d2, jnp.float32(1e-12)))
                d = d2 * r
                pos = plsc.cumsum(jnp.where(msk, 1, 0))
                col = jnp.minimum(cnt + pos - 1, _NCAP - 1)
                idx = [row_i, col]
                plsc.store_scatter(nb_d, idx, d, mask=msk)
                plsc.store_scatter(nb_j, idx, jids, mask=msk)
                return cnt + jnp.max(pos)

            cnt = lax.fori_loop(0, nchunks, chunk, jnp.int32(0))
            cnt_v[i] = jnp.minimum(cnt, _NCAP)
            return c2
        lax.fori_loop(0, natoms, sweep, 0)

        def rad_atom(i, c2):
            n = cnt_v[i]

            def rpair(j, c3):
                d = _sget2(nb_d, i, j)
                dv = jnp.full((_L,), d, jnp.float32)
                fc = _fc_vec(dv, _RCR)
                s = _sget(spv, _sget2(nb_j, i, j))
                t = dv - shfr_v[...]
                rt = (0.25 * fc) * jnp.exp(t * t * (-_ETA_R))
                rad_v[i, pl.ds(s * _L, _L)] += rt
                return c3
            lax.fori_loop(0, n, rpair, 0)
            return c2
        lax.fori_loop(0, natoms, rad_atom, 0)

        def ang_atom(i, c2):
            n = cnt_v[i]
            xi = jnp.full((_L,), _sget(xv, i), jnp.float32)
            yi = jnp.full((_L,), _sget(yv, i), jnp.float32)
            zi = jnp.full((_L,), _sget(zv, i), jnp.float32)

            def asel(c, na):
                base = c * _L
                lanes = lane_iota + base
                d = nb_d[i, pl.ds(base, _L)]
                jj = nb_j[i, pl.ds(base, _L)]
                msk = (lanes < n) & (d <= rca)
                fca = _fc_vec(d, _RCA)
                jc = jnp.where(msk, jj, 0)
                dx = xi - plsc.load_gather(xv, [jc])
                dy = yi - plsc.load_gather(yv, [jc])
                dz = zi - plsc.load_gather(zv, [jc])
                spj = plsc.load_gather(spv, [jc])
                pos = plsc.cumsum(jnp.where(msk, 1, 0))
                col = [na + pos - 1]
                plsc.store_scatter(a_d, col, d, mask=msk)
                plsc.store_scatter(a_fc, col, fca, mask=msk)
                plsc.store_scatter(a_dx, col, dx, mask=msk)
                plsc.store_scatter(a_dy, col, dy, mask=msk)
                plsc.store_scatter(a_dz, col, dz, mask=msk)
                plsc.store_scatter(a_sp, col, spj, mask=msk)
                return na + jnp.max(pos)

            na = lax.fori_loop(0, _NCAP // _L, asel, jnp.int32(0))

            def k1loop(k1, c3):
                d1 = _sget(a_d, k1)
                f1 = _sget(a_fc, k1)
                x1 = _sget(a_dx, k1)
                y1 = _sget(a_dy, k1)
                z1 = _sget(a_dz, k1)
                s1 = _sget(a_sp, k1)

                def k2loop(k2, c4):
                    d2s = _sget(a_d, k2)
                    dot = (x1 * _sget(a_dx, k2) + y1 * _sget(a_dy, k2)
                           + z1 * _sget(a_dz, k2))
                    s2 = _sget(a_sp, k2)
                    pn = jnp.maximum(d1 * d2s, jnp.float32(1e-8))
                    pnv = jnp.full((_L,), pn, jnp.float32)
                    cosv = jnp.full((_L,), jnp.float32(0.95) * dot,
                                    jnp.float32) / pnv
                    sin2v = jnp.maximum(1.0 - cosv * cosv,
                                        jnp.float32(1e-20))
                    sinv = sin2v * _vrsqrt(sin2v)
                    davg = jnp.full((_L,), 0.5 * (d1 + d2s), jnp.float32)
                    g = 2.0 * f1 * _sget(a_fc, k2)
                    sa_lo = jnp.minimum(s1, s2)
                    sa_hi = jnp.maximum(s1, s2)
                    p = sa_lo * _NSP + sa_hi - ((sa_lo * (sa_lo + 1)) >> 1)
                    cb = p * 32
                    for c in range(2):
                        sl = pl.ds(c * _L, _L)
                        cosd = cosv * cz_v[sl] + sinv * sz_v[sl]
                        x = 0.5 + 0.5 * cosd
                        for _ in range(5):
                            x = x * x
                        ta = davg - sa_v[sl]
                        term = (x * g) * jnp.exp(ta * ta * (-_ETA_A))
                        ang_v[i, pl.ds(cb + c * _L, _L)] += term
                    return c4
                lax.fori_loop(k1 + 1, na, k2loop, 0)
                return c3
            lax.fori_loop(0, na, k1loop, 0)
            return c2
        lax.fori_loop(0, natoms, ang_atom, 0)

        pltpu.sync_copy(rad_v, out_r_hbm.at[mol])
        pltpu.sync_copy(ang_v, out_a_hbm.at[mol])
        return carry

    lax.fori_loop(0, mols_per_w, mol_body, 0)


@jax.jit
def _aev_sc(xc, yc, zc, sp):
    num_mols, natoms = xc.shape

    zq = np.tile(_SHFZ, 4)
    sq = np.repeat(_SHFA, 8)
    cz = np.cos(zq).astype(np.float32)
    sz = np.sin(zq).astype(np.float32)
    sa = sq.astype(np.float32)

    kern = pl.kernel(
        _aev_body,
        out_type=(
            jax.ShapeDtypeStruct((num_mols, natoms, _RAD_LEN), jnp.float32),
            jax.ShapeDtypeStruct((num_mols, natoms, _ANG_LEN), jnp.float32),
        ),
        mesh=plsc.VectorSubcoreMesh(core_axis_name="c", subcore_axis_name="s"),
        compiler_params=pltpu.CompilerParams(needs_layout_passes=False),
        scratch_types=[
            pltpu.VMEM((natoms + _PAD,), jnp.float32),
            pltpu.VMEM((natoms + _PAD,), jnp.float32),
            pltpu.VMEM((natoms + _PAD,), jnp.float32),
            pltpu.VMEM((natoms + _PAD,), jnp.int32),
            pltpu.VMEM((_L,), jnp.float32),
            pltpu.VMEM((2 * _L,), jnp.float32),
            pltpu.VMEM((2 * _L,), jnp.float32),
            pltpu.VMEM((2 * _L,), jnp.float32),
            pltpu.VMEM((natoms, _RAD_LEN), jnp.float32),
            pltpu.VMEM((natoms, _ANG_LEN), jnp.float32),
            pltpu.VMEM((natoms, _NCAP + _PAD), jnp.float32),
            pltpu.VMEM((natoms, _NCAP + _PAD), jnp.int32),
            pltpu.VMEM((_NCAP + _PAD,), jnp.float32),
            pltpu.VMEM((_NCAP + _PAD,), jnp.float32),
            pltpu.VMEM((_NCAP + _PAD,), jnp.float32),
            pltpu.VMEM((_NCAP + _PAD,), jnp.float32),
            pltpu.VMEM((_NCAP + _PAD,), jnp.float32),
            pltpu.VMEM((_NCAP + _PAD,), jnp.int32),
            pltpu.SMEM((natoms,), jnp.int32),
        ],
    )
    return kern(xc, yc, zc, sp,
                jnp.asarray(_SHFR), jnp.asarray(cz), jnp.asarray(sz),
                jnp.asarray(sa))


def kernel(species, coordinates):
    c = coordinates.astype(jnp.float32)
    sp = species.astype(jnp.int32)
    out_r, out_a = _aev_sc(c[:, :, 0], c[:, :, 1], c[:, :, 2], sp)
    return jnp.concatenate([out_r, out_a], axis=-1)

# --- scband reference (transcript-rebuilt; emitter-appended) ---
"""Pipeline reference for scband-aevcomputer-33054068310393 (READ-ONLY COPY).

The authoritative reference and input builder live on the scoring server;
editing this copy changes nothing except your own understanding.
"""

import jax, jax.numpy as jnp
import numpy as np
import math

Rcr = 5.2
Rca = 3.5
EtaR = 16.0
ShfR = np.array([0.9, 1.16875, 1.4375, 1.70625, 1.975, 2.24375, 2.5125, 2.78125, 3.05, 3.31875, 3.5875, 3.85625, 4.125, 4.39375, 4.6625, 4.93125], dtype=np.float32)
EtaA = 8.0
Zeta = 32.0
ShfA = np.array([0.9, 1.55, 2.2, 2.85], dtype=np.float32)
ShfZ = np.array([0.19634954, 0.58904862, 0.9817477, 1.3744468, 1.7671459, 2.1598449, 2.552544, 2.9452431], dtype=np.float32)
NUM_SPECIES = 4
RADIAL_SUBLEN = 16
RADIAL_LEN = 64
ANGULAR_SUBLEN = 32
NUM_SPECIES_PAIRS = 10
ANGULAR_LEN = 320
BOX = 19.0


def _make_triu_index(ns):
    s1, s2 = np.triu_indices(ns)
    pair_index = np.arange(s1.shape[0])
    ret = np.zeros((ns, ns), dtype=np.int64)
    ret[s1, s2] = pair_index
    ret[s2, s1] = pair_index
    return ret

TRIU_INDEX = _make_triu_index(NUM_SPECIES)


def _cumsum_from_zero(x):
    return np.concatenate([np.zeros(1, dtype=np.int64), np.cumsum(x)[:-1]])


def _triple_by_molecule(atom_index12):
    ai1 = atom_index12.reshape(-1)
    rev_indices = np.argsort(ai1, kind='stable')
    sorted_ai1 = ai1[rev_indices]
    uniq, counts = np.unique(sorted_ai1, return_counts=True)
    pair_sizes = counts * (counts - 1) // 2
    pair_indices = np.repeat(np.arange(counts.shape[0]), pair_sizes)
    central_atom_index = uniq[pair_indices]
    m = int(counts.max()) if counts.size > 0 else 0
    k = m * (m - 1) // 2
    tril = np.stack(np.tril_indices(m, -1)).astype(np.int64)
    nc = counts.shape[0]
    mask = (np.arange(k)[None, :] < pair_sizes[:, None]).reshape(-1)
    intra = np.broadcast_to(tril[:, None, :], (2, nc, k)).reshape(2, -1)[:, mask]
    sorted_local_index12 = intra + _cumsum_from_zero(counts)[pair_indices][None, :]
    local_index12 = rev_indices[sorted_local_index12]
    n = atom_index12.shape[1]
    sign12 = np.where(local_index12 < n, 1, -1).astype(np.int64)
    return central_atom_index, local_index12 % n, sign12


def _neighbor_pairs_nopbc(padding_mask, coordinates, cutoff):
    num_mols, num_atoms = padding_mask.shape
    p12 = np.stack(np.triu_indices(num_atoms, 1)).astype(np.int64)
    diff = coordinates[:, p12[0], :] - coordinates[:, p12[1], :]
    dist = np.linalg.norm(diff, axis=-1)
    pad = padding_mask[:, p12[0]] | padding_mask[:, p12[1]]
    dist = np.where(pad, np.inf, dist)
    mol_idx, pair_idx = np.nonzero(dist <= cutoff)
    atom_index12 = p12[:, pair_idx] + (mol_idx * num_atoms)[None, :]
    return atom_index12


def _build_indices(species_np, coords_np):
    padding_mask = species_np == -1
    atom_index12 = _neighbor_pairs_nopbc(padding_mask, coords_np, Rcr)
    coords_flat = coords_np.reshape(-1, 3)
    vec = coords_flat[atom_index12[0]] - coords_flat[atom_index12[1]]
    dist = np.linalg.norm(vec, axis=-1)
    species_flat = species_np.reshape(-1)
    species12 = species_flat[atom_index12]
    closer_sel = np.nonzero(dist <= Rca)[0]
    ai12_c = atom_index12[:, closer_sel]
    sp12_c = species12[:, closer_sel]
    central_atom_index, pair_index12, sign12 = _triple_by_molecule(ai12_c)
    species12_small = sp12_c[:, pair_index12]
    species12_ = np.where(sign12 == 1, species12_small[1], species12_small[0])
    angular_index = central_atom_index * NUM_SPECIES_PAIRS + TRIU_INDEX[species12_[0], species12_[1]]
    return {'atom_index12': atom_index12, 'species12': species12, 'closer_sel': closer_sel,
            'central_atom_index': central_atom_index, 'pair_index12': pair_index12,
            'sign12': sign12, 'angular_index': angular_index}


def _radial_terms(distances):
    d = distances[:, None]
    fc = 0.5 * jnp.cos(d * (math.pi / Rcr)) + 0.5
    return 0.25 * jnp.exp(-EtaR * (d - jnp.asarray(ShfR)[None, :]) ** 2) * fc


def _angular_terms(vec12):
    d12 = jnp.linalg.norm(vec12, axis=-1)
    prod_norm = jnp.maximum(d12[0] * d12[1], 1e-8)
    cos_angles = 0.95 * jnp.sum(vec12[0] * vec12[1], axis=-1) / prod_norm
    angles = jnp.arccos(cos_angles)
    fcj12 = 0.5 * jnp.cos(d12 * (math.pi / Rca)) + 0.5
    factor1 = ((1 + jnp.cos(angles[:, None, None] - jnp.asarray(ShfZ)[None, None, :])) / 2) ** Zeta
    factor2 = jnp.exp(-EtaA * (jnp.sum(d12, axis=0)[:, None, None] / 2 - jnp.asarray(ShfA)[None, :, None]) ** 2)
    ret = 2 * factor1 * factor2 * (fcj12[0] * fcj12[1])[:, None, None]
    return ret.reshape(ret.shape[0], -1)


def _compute_aev(coordinates, species_np, idx):
    num_mols, num_atoms = species_np.shape
    coords_flat = coordinates.reshape(-1, 3)
    ai12 = idx['atom_index12']
    vec = coords_flat[ai12[0]] - coords_flat[ai12[1]]
    distances = jnp.linalg.norm(vec, axis=-1)
    rterms = _radial_terms(distances)
    species12 = idx['species12']
    index12 = ai12 * NUM_SPECIES + species12[::-1]
    radial_aev = jnp.zeros((num_mols * num_atoms * NUM_SPECIES, RADIAL_SUBLEN), dtype=coordinates.dtype)
    radial_aev = radial_aev.at[index12[0]].add(rterms)
    radial_aev = radial_aev.at[index12[1]].add(rterms)
    radial_aev = radial_aev.reshape(num_mols, num_atoms, RADIAL_LEN)
    sel = idx['closer_sel']
    vec_c = vec[sel]
    pair_index12 = idx['pair_index12']
    sign12 = idx['sign12']
    vec12 = vec_c[pair_index12.reshape(-1)].reshape(2, -1, 3) * jnp.asarray(sign12, dtype=coordinates.dtype)[..., None]
    aterms = _angular_terms(vec12)
    angular_aev = jnp.zeros((num_mols * num_atoms * NUM_SPECIES_PAIRS, ANGULAR_SUBLEN), dtype=coordinates.dtype)
    angular_aev = angular_aev.at[idx['angular_index']].add(aterms)
    angular_aev = angular_aev.reshape(num_mols, num_atoms, ANGULAR_LEN)
    return jnp.concatenate([radial_aev, angular_aev], axis=-1)


def _static_pair_triple_index(num_atoms):
    p12 = np.stack(np.triu_indices(num_atoms, 1)).astype(np.int64)
    num_pairs = p12.shape[1]
    pair_id = np.zeros((num_atoms, num_atoms), dtype=np.int64)
    pair_id[p12[0], p12[1]] = np.arange(num_pairs)
    pair_id[p12[1], p12[0]] = np.arange(num_pairs)
    ii = np.repeat(np.arange(num_atoms, dtype=np.int64), num_pairs)
    jj = np.tile(p12[0], num_atoms)
    kk = np.tile(p12[1], num_atoms)
    keep = (jj != ii) & (kk != ii)
    ti, tj, tk = ii[keep], jj[keep], kk[keep]
    return p12, ti, tj, tk, pair_id[ti, tj], pair_id[ti, tk]


def _angular_terms_masked(vec12, mask):
    d12 = jnp.linalg.norm(vec12, axis=-1)
    prod_norm = jnp.maximum(d12[0] * d12[1], 1e-8)
    cos_angles = 0.95 * jnp.sum(vec12[0] * vec12[1], axis=-1) / prod_norm
    cos_angles = jnp.where(mask, cos_angles, jnp.zeros_like(cos_angles))
    angles = jnp.arccos(cos_angles)
    fcj12 = 0.5 * jnp.cos(d12 * (math.pi / Rca)) + 0.5
    factor1 = ((1 + jnp.cos(angles[:, None, None] - jnp.asarray(ShfZ)[None, None, :])) / 2) ** Zeta
    factor2 = jnp.exp(-EtaA * (jnp.sum(d12, axis=0)[:, None, None] / 2 - jnp.asarray(ShfA)[None, :, None]) ** 2)
    ret = 2 * factor1 * factor2 * (fcj12[0] * fcj12[1])[:, None, None]
    ret = ret.reshape(ret.shape[0], -1)
    return ret * mask[:, None].astype(ret.dtype)


def setup_inputs(seed: int = 0) -> dict:
    key = jax.random.key(seed)
    k1, k2 = jax.random.split(key)
    M, A = 256, 128
    species = jax.random.randint(k1, (M, A), 0, NUM_SPECIES, dtype=jnp.int32)
    coordinates = jax.random.uniform(k2, (M, A, 3), dtype=jnp.float32) * BOX
    return {'species': species, 'coordinates': coordinates}


def reference(species, coordinates):
    num_mols, num_atoms = species.shape
    p12, ti, tj, tk, pid1, pid2 = _static_pair_triple_index(num_atoms)
    triu_index = jnp.asarray(TRIU_INDEX)

    def _one_molecule(args):
        sp, c = args
        pad = sp == -1
        vec = c[p12[0]] - c[p12[1]]
        dist = jnp.linalg.norm(vec, axis=-1)
        dist_masked = jnp.where(pad[p12[0]] | pad[p12[1]], jnp.inf, dist)
        rmask = dist_masked <= Rcr
        rterms = _radial_terms(dist) * rmask[:, None].astype(c.dtype)
        index0 = p12[0] * NUM_SPECIES + sp[p12[1]]
        index1 = p12[1] * NUM_SPECIES + sp[p12[0]]
        radial_aev = jnp.zeros((num_atoms * NUM_SPECIES, RADIAL_SUBLEN), dtype=c.dtype)
        radial_aev = radial_aev.at[index0].add(rterms)
        radial_aev = radial_aev.at[index1].add(rterms)
        radial_aev = radial_aev.reshape(num_atoms, RADIAL_LEN)
        amask = dist_masked <= Rca
        tmask = amask[pid1] & amask[pid2]
        vec12 = jnp.stack([c[ti] - c[tj], c[ti] - c[tk]])
        aterms = _angular_terms_masked(vec12, tmask)
        angular_index = ti * NUM_SPECIES_PAIRS + triu_index[sp[tj], sp[tk]]
        angular_aev = jnp.zeros((num_atoms * NUM_SPECIES_PAIRS, ANGULAR_SUBLEN), dtype=c.dtype)
        angular_aev = angular_aev.at[angular_index].add(aterms)
        angular_aev = angular_aev.reshape(num_atoms, ANGULAR_LEN)
        return jnp.concatenate([radial_aev, angular_aev], axis=-1)

    return jax.lax.map(_one_molecule, (species, coordinates))

if __name__ == "__main__":
    import jax
    _d = setup_inputs()
    print(jax.jit(kernel)(*tuple(_d.values())))

</pallas_src>

<mosaic_0001>
#map = affine_map<(d0, d1) -> (0, 0)>
#map1 = affine_map<(d0, d1) -> (0)>
#map2 = affine_map<(d0, d1) -> (0, 0, 0)>
module attributes {stable_mosaic.version = 14 : i64} {
  func.func @_aev_body(%arg0: i32, %arg1: i32, %arg2: memref<256x128xf32, #tpu.memory_space<hbm>>, %arg3: memref<256x128xf32, #tpu.memory_space<hbm>>, %arg4: memref<256x128xf32, #tpu.memory_space<hbm>>, %arg5: memref<256x128xi32, #tpu.memory_space<hbm>>, %arg6: memref<16xf32, #tpu.memory_space<hbm>>, %arg7: memref<32xf32, #tpu.memory_space<hbm>>, %arg8: memref<32xf32, #tpu.memory_space<hbm>>, %arg9: memref<32xf32, #tpu.memory_space<hbm>>, %arg10: memref<256x128x64xf32, #tpu.memory_space<hbm>>, %arg11: memref<256x128x320xf32, #tpu.memory_space<hbm>>, %arg12: memref<144xf32, #tpu.memory_space<vmem>>, %arg13: memref<144xf32, #tpu.memory_space<vmem>>, %arg14: memref<144xf32, #tpu.memory_space<vmem>>, %arg15: memref<144xi32, #tpu.memory_space<vmem>>, %arg16: memref<16xf32, #tpu.memory_space<vmem>>, %arg17: memref<32xf32, #tpu.memory_space<vmem>>, %arg18: memref<32xf32, #tpu.memory_space<vmem>>, %arg19: memref<32xf32, #tpu.memory_space<vmem>>, %arg20: memref<128x64xf32, #tpu.memory_space<vmem>>, %arg21: memref<128x320xf32, #tpu.memory_space<vmem>>, %arg22: memref<128x48xf32, #tpu.memory_space<vmem>>, %arg23: memref<128x48xi32, #tpu.memory_space<vmem>>, %arg24: memref<48xf32, #tpu.memory_space<vmem>>, %arg25: memref<48xf32, #tpu.memory_space<vmem>>, %arg26: memref<48xf32, #tpu.memory_space<vmem>>, %arg27: memref<48xf32, #tpu.memory_space<vmem>>, %arg28: memref<48xf32, #tpu.memory_space<vmem>>, %arg29: memref<48xi32, #tpu.memory_space<vmem>>, %arg30: memref<128xi32, #tpu.memory_space<smem>>) attributes {dimension_semantics = [#tpu.dimension_semantics<core_parallel>, #tpu.dimension_semantics<subcore_parallel>], iteration_bounds = array<i64: 2, 16>, scalar_prefetch = 0 : i64, scratch_operands = 19 : i64, tpu.core_type = #tpu.core_type<sc_vector_subcore>, window_params = [{transform_indices = #map}, {transform_indices = #map}, {transform_indices = #map}, {transform_indices = #map}, {transform_indices = #map1}, {transform_indices = #map1}, {transform_indices = #map1}, {transform_indices = #map1}, {transform_indices = #map2}, {transform_indices = #map2}]} {
    %mul3A = arith.constant 2 : i32
    %mul3A_0 = arith.muli %arg1, %mul3A : i32
    %add3A = arith.addi %mul3A_0, %arg0 : i32
    "tpu.region"() ({
      %run_scoped3A = tpu.sem_alloc : memref<!tpu.dma_semaphore, #tpu.memory_space<semaphore_mem>>
      tpu.enqueue_dma source(%arg6 : memref<16xf32, #tpu.memory_space<hbm>>) target(%arg16 : memref<16xf32, #tpu.memory_space<vmem>>) target_semaphore(%run_scoped3A : memref<!tpu.dma_semaphore, #tpu.memory_space<semaphore_mem>>)
      tpu.wait_dma2 semaphore(%run_scoped3A : memref<!tpu.dma_semaphore, #tpu.memory_space<semaphore_mem>>) src(%arg6 : memref<16xf32, #tpu.memory_space<hbm>>) dst(%arg16 : memref<16xf32, #tpu.memory_space<vmem>>)
      tpu.yield
    }) : () -> ()
    "tpu.region"() ({
      %run_scoped3A = tpu.sem_alloc : memref<!tpu.dma_semaphore, #tpu.memory_space<semaphore_mem>>
      tpu.enqueue_dma source(%arg7 : memref<32xf32, #tpu.memory_space<hbm>>) target(%arg17 : memref<32xf32, #tpu.memory_space<vmem>>) target_semaphore(%run_scoped3A : memref<!tpu.dma_semaphore, #tpu.memory_space<semaphore_mem>>)
      tpu.wait_dma2 semaphore(%run_scoped3A : memref<!tpu.dma_semaphore, #tpu.memory_space<semaphore_mem>>) src(%arg7 : memref<32xf32, #tpu.memory_space<hbm>>) dst(%arg17 : memref<32xf32, #tpu.memory_space<vmem>>)
      tpu.yield
    }) : () -> ()
    "tpu.region"() ({
      %run_scoped3A = tpu.sem_alloc : memref<!tpu.dma_semaphore, #tpu.memory_space<semaphore_mem>>
      tpu.enqueue_dma source(%arg8 : memref<32xf32, #tpu.memory_space<hbm>>) target(%arg18 : memref<32xf32, #tpu.memory_space<vmem>>) target_semaphore(%run_scoped3A : memref<!tpu.dma_semaphore, #tpu.memory_space<semaphore_mem>>)
      tpu.wait_dma2 semaphore(%run_scoped3A : memref<!tpu.dma_semaphore, #tpu.memory_space<semaphore_mem>>) src(%arg8 : memref<32xf32, #tpu.memory_space<hbm>>) dst(%arg18 : memref<32xf32, #tpu.memory_space<vmem>>)
      tpu.yield
    }) : () -> ()
    "tpu.region"() ({
      %run_scoped3A = tpu.sem_alloc : memref<!tpu.dma_semaphore, #tpu.memory_space<semaphore_mem>>
      tpu.enqueue_dma source(%arg9 : memref<32xf32, #tpu.memory_space<hbm>>) target(%arg19 : memref<32xf32, #tpu.memory_space<vmem>>) target_semaphore(%run_scoped3A : memref<!tpu.dma_semaphore, #tpu.memory_space<semaphore_mem>>)
      tpu.wait_dma2 semaphore(%run_scoped3A : memref<!tpu.dma_semaphore, #tpu.memory_space<semaphore_mem>>) src(%arg9 : memref<32xf32, #tpu.memory_space<hbm>>) dst(%arg19 : memref<32xf32, #tpu.memory_space<vmem>>)
      tpu.yield
    }) : () -> ()
    %broadcast_in_dim3A = arith.constant 0.000000e+00 : f32
    %broadcast_in_dim3A_1 = vector.broadcast %broadcast_in_dim3A : f32 to vector<16xf32>
    %iota3A = tpu.iota {dimensions = array<i32: 0>} : vector<16xi32>
    %scan3A = arith.constant 0 : i32
    %scan3A_2 = arith.constant 2.704000e+01 : f32
    %scan3A_3 = arith.constant 3.500000e+00 : f32
    %scan3A_4 = arith.constant 0 : i32
    %scan3A_5 = arith.constant 8 : i32
    %scan3A_6 = arith.addi %scan3A_4, %scan3A_5 : i32
    %scan3A_7 = arith.constant 1 : i32
    scf.for %scan3A_9 = %scan3A_4 to %scan3A_6 step %scan3A_7  : i32 {
      %mul3A_10 = arith.constant 8 : i32
      %mul3A_11 = arith.muli %add3A, %mul3A_10 : i32
      %add3A_12 = arith.addi %mul3A_11, %scan3A_9 : i32
      "tpu.region"() ({
        %run_scoped3A = tpu.sem_alloc : memref<!tpu.dma_semaphore, #tpu.memory_space<semaphore_mem>>
        %dma_start3A = arith.constant 0 : i32
        %dma_start3A_37 = tpu.memref_slice %arg12[%dma_start3A] : memref<144xf32, #tpu.memory_space<vmem>> -> memref<128xf32, #tpu.memory_space<vmem>>
        %dma_start3A_38 = arith.constant 0 : i32
        %dma_start3A_39 = tpu.memref_slice %arg2[%add3A_12, %dma_start3A_38] : memref<256x128xf32, #tpu.memory_space<hbm>> -> memref<1x128xf32, #tpu.memory_space<hbm>>
        %dma_start3A_40 = tpu.memref_squeeze %dma_start3A_39 : memref<1x128xf32, #tpu.memory_space<hbm>> -> memref<128xf32, #tpu.memory_space<hbm>>
        %dma_start3A_41 = arith.constant 0 : i32
        %dma_start3A_42 = tpu.memref_slice %arg12[%dma_start3A_41] : memref<144xf32, #tpu.memory_space<vmem>> -> memref<128xf32, #tpu.memory_space<vmem>>
        %dma_start3A_43 = arith.constant 0 : i32
        %dma_start3A_44 = tpu.memref_slice %arg2[%add3A_12, %dma_start3A_43] : memref<256x128xf32, #tpu.memory_space<hbm>> -> memref<1x128xf32, #tpu.memory_space<hbm>>
        %dma_start3A_45 = tpu.memref_squeeze %dma_start3A_44 : memref<1x128xf32, #tpu.memory_space<hbm>> -> memref<128xf32, #tpu.memory_space<hbm>>
        tpu.enqueue_dma source(%dma_start3A_45 : memref<128xf32, #tpu.memory_space<hbm>>) target(%dma_start3A_42 : memref<128xf32, #tpu.memory_space<vmem>>) target_semaphore(%run_scoped3A : memref<!tpu.dma_semaphore, #tpu.memory_space<semaphore_mem>>)
        %dma_wait3A = arith.constant 0 : i32
        %dma_wait3A_46 = tpu.memref_slice %arg12[%dma_wait3A] : memref<144xf32, #tpu.memory_space<vmem>> -> memref<128xf32, #tpu.memory_space<vmem>>
        %dma_wait3A_47 = arith.constant 0 : i32
        %dma_wait3A_48 = tpu.memref_slice %arg2[%add3A_12, %dma_wait3A_47] : memref<256x128xf32, #tpu.memory_space<hbm>> -> memref<1x128xf32, #tpu.memory_space<hbm>>
        %dma_wait3A_49 = tpu.memref_squeeze %dma_wait3A_48 : memref<1x128xf32, #tpu.memory_space<hbm>> -> memref<128xf32, #tpu.memory_space<hbm>>
        %dma_wait3A_50 = arith.constant 0 : i32
        %dma_wait3A_51 = tpu.memref_slice %arg12[%dma_wait3A_50] : memref<144xf32, #tpu.memory_space<vmem>> -> memref<128xf32, #tpu.memory_space<vmem>>
        %dma_wait3A_52 = arith.constant 0 : i32
        %dma_wait3A_53 = tpu.memref_slice %arg2[%add3A_12, %dma_wait3A_52] : memref<256x128xf32, #tpu.memory_space<hbm>> -> memref<1x128xf32, #tpu.memory_space<hbm>>
        %dma_wait3A_54 = tpu.memref_squeeze %dma_wait3A_53 : memref<1x128xf32, #tpu.memory_space<hbm>> -> memref<128xf32, #tpu.memory_space<hbm>>
        tpu.wait_dma2 semaphore(%run_scoped3A : memref<!tpu.dma_semaphore, #tpu.memory_space<semaphore_mem>>) src(%dma_wait3A_54 : memref<128xf32, #tpu.memory_space<hbm>>) dst(%dma_wait3A_51 : memref<128xf32, #tpu.memory_space<vmem>>)
        tpu.yield
      }) : () -> ()
      "tpu.region"() ({
        %run_scoped3A = tpu.sem_alloc : memref<!tpu.dma_semaphore, #tpu.memory_space<semaphore_mem>>
        %dma_start3A = arith.constant 0 : i32
        %dma_start3A_37 = tpu.memref_slice %arg13[%dma_start3A] : memref<144xf32, #tpu.memory_space<vmem>> -> memref<128xf32, #tpu.memory_space<vmem>>
        %dma_start3A_38 = arith.constant 0 : i32
        %dma_start3A_39 = tpu.memref_slice %arg3[%add3A_12, %dma_start3A_38] : memref<256x128xf32, #tpu.memory_space<hbm>> -> memref<1x128xf32, #tpu.memory_space<hbm>>
        %dma_start3A_40 = tpu.memref_squeeze %dma_start3A_39 : memref<1x128xf32, #tpu.memory_space<hbm>> -> memref<128xf32, #tpu.memory_space<hbm>>
        %dma_start3A_41 = arith.constant 0 : i32
        %dma_start3A_42 = tpu.memref_slice %arg13[%dma_start3A_41] : memref<144xf32, #tpu.memory_space<vmem>> -> memref<128xf32, #tpu.memory_space<vmem>>
        %dma_start3A_43 = arith.constant 0 : i32
        %dma_start3A_44 = tpu.memref_slice %arg3[%add3A_12, %dma_start3A_43] : memref<256x128xf32, #tpu.memory_space<hbm>> -> memref<1x128xf32, #tpu.memory_space<hbm>>
        %dma_start3A_45 = tpu.memref_squeeze %dma_start3A_44 : memref<1x128xf32, #tpu.memory_space<hbm>> -> memref<128xf32, #tpu.memory_space<hbm>>
        tpu.enqueue_dma source(%dma_start3A_45 : memref<128xf32, #tpu.memory_space<hbm>>) target(%dma_start3A_42 : memref<128xf32, #tpu.memory_space<vmem>>) target_semaphore(%run_scoped3A : memref<!tpu.dma_semaphore, #tpu.memory_space<semaphore_mem>>)
        %dma_wait3A = arith.constant 0 : i32
        %dma_wait3A_46 = tpu.memref_slice %arg13[%dma_wait3A] : memref<144xf32, #tpu.memory_space<vmem>> -> memref<128xf32, #tpu.memory_space<vmem>>
        %dma_wait3A_47 = arith.constant 0 : i32
        %dma_wait3A_48 = tpu.memref_slice %arg3[%add3A_12, %dma_wait3A_47] : memref<256x128xf32, #tpu.memory_space<hbm>> -> memref<1x128xf32, #tpu.memory_space<hbm>>
        %dma_wait3A_49 = tpu.memref_squeeze %dma_wait3A_48 : memref<1x128xf32, #tpu.memory_space<hbm>> -> memref<128xf32, #tpu.memory_space<hbm>>
        %dma_wait3A_50 = arith.constant 0 : i32
        %dma_wait3A_51 = tpu.memref_slice %arg13[%dma_wait3A_50] : memref<144xf32, #tpu.memory_space<vmem>> -> memref<128xf32, #tpu.memory_space<vmem>>
        %dma_wait3A_52 = arith.constant 0 : i32
        %dma_wait3A_53 = tpu.memref_slice %arg3[%add3A_12, %dma_wait3A_52] : memref<256x128xf32, #tpu.memory_space<hbm>> -> memref<1x128xf32, #tpu.memory_space<hbm>>
        %dma_wait3A_54 = tpu.memref_squeeze %dma_wait3A_53 : memref<1x128xf32, #tpu.memory_space<hbm>> -> memref<128xf32, #tpu.memory_space<hbm>>
        tpu.wait_dma2 semaphore(%run_scoped3A : memref<!tpu.dma_semaphore, #tpu.memory_space<semaphore_mem>>) src(%dma_wait3A_54 : memref<128xf32, #tpu.memory_space<hbm>>) dst(%dma_wait3A_51 : memref<128xf32, #tpu.memory_space<vmem>>)
        tpu.yield
      }) : () -> ()
      "tpu.region"() ({
        %run_scoped3A = tpu.sem_alloc : memref<!tpu.dma_semaphore, #tpu.memory_space<semaphore_mem>>
        %dma_start3A = arith.constant 0 : i32
        %dma_start3A_37 = tpu.memref_slice %arg14[%dma_start3A] : memref<144xf32, #tpu.memory_space<vmem>> -> memref<128xf32, #tpu.memory_space<vmem>>
        %dma_start3A_38 = arith.constant 0 : i32
        %dma_start3A_39 = tpu.memref_slice %arg4[%add3A_12, %dma_start3A_38] : memref<256x128xf32, #tpu.memory_space<hbm>> -> memref<1x128xf32, #tpu.memory_space<hbm>>
        %dma_start3A_40 = tpu.memref_squeeze %dma_start3A_39 : memref<1x128xf32, #tpu.memory_space<hbm>> -> memref<128xf32, #tpu.memory_space<hbm>>
        %dma_start3A_41 = arith.constant 0 : i32
        %dma_start3A_42 = tpu.memref_slice %arg14[%dma_start3A_41] : memref<144xf32, #tpu.memory_space<vmem>> -> memref<128xf32, #tpu.memory_space<vmem>>
        %dma_start3A_43 = arith.constant 0 : i32
        %dma_start3A_44 = tpu.memref_slice %arg4[%add3A_12, %dma_start3A_43] : memref<256x128xf32, #tpu.memory_space<hbm>> -> memref<1x128xf32, #tpu.memory_space<hbm>>
        %dma_start3A_45 = tpu.memref_squeeze %dma_start3A_44 : memref<1x128xf32, #tpu.memory_space<hbm>> -> memref<128xf32, #tpu.memory_space<hbm>>
        tpu.enqueue_dma source(%dma_start3A_45 : memref<128xf32, #tpu.memory_space<hbm>>) target(%dma_start3A_42 : memref<128xf32, #tpu.memory_space<vmem>>) target_semaphore(%run_scoped3A : memref<!tpu.dma_semaphore, #tpu.memory_space<semaphore_mem>>)
        %dma_wait3A = arith.constant 0 : i32
        %dma_wait3A_46 = tpu.memref_slice %arg14[%dma_wait3A] : memref<144xf32, #tpu.memory_space<vmem>> -> memref<128xf32, #tpu.memory_space<vmem>>
        %dma_wait3A_47 = arith.constant 0 : i32
        %dma_wait3A_48 = tpu.memref_slice %arg4[%add3A_12, %dma_wait3A_47] : memref<256x128xf32, #tpu.memory_space<hbm>> -> memref<1x128xf32, #tpu.memory_space<hbm>>
        %dma_wait3A_49 = tpu.memref_squeeze %dma_wait3A_48 : memref<1x128xf32, #tpu.memory_space<hbm>> -> memref<128xf32, #tpu.memory_space<hbm>>
        %dma_wait3A_50 = arith.constant 0 : i32
        %dma_wait3A_51 = tpu.memref_slice %arg14[%dma_wait3A_50] : memref<144xf32, #tpu.memory_space<vmem>> -> memref<128xf32, #tpu.memory_space<vmem>>
        %dma_wait3A_52 = arith.constant 0 : i32
        %dma_wait3A_53 = tpu.memref_slice %arg4[%add3A_12, %dma_wait3A_52] : memref<256x128xf32, #tpu.memory_space<hbm>> -> memref<1x128xf32, #tpu.memory_space<hbm>>
        %dma_wait3A_54 = tpu.memref_squeeze %dma_wait3A_53 : memref<1x128xf32, #tpu.memory_space<hbm>> -> memref<128xf32, #tpu.memory_space<hbm>>
        tpu.wait_dma2 semaphore(%run_scoped3A : memref<!tpu.dma_semaphore, #tpu.memory_space<semaphore_mem>>) src(%dma_wait3A_54 : memref<128xf32, #tpu.memory_space<hbm>>) dst(%dma_wait3A_51 : memref<128xf32, #tpu.memory_space<vmem>>)
        tpu.yield
      }) : () -> ()
      "tpu.region"() ({
        %run_scoped3A = tpu.sem_alloc : memref<!tpu.dma_semaphore, #tpu.memory_space<semaphore_mem>>
        %dma_start3A = arith.constant 0 : i32
        %dma_start3A_37 = tpu.memref_slice %arg15[%dma_start3A] : memref<144xi32, #tpu.memory_space<vmem>> -> memref<128xi32, #tpu.memory_space<vmem>>
        %dma_start3A_38 = arith.constant 0 : i32
        %dma_start3A_39 = tpu.memref_slice %arg5[%add3A_12, %dma_start3A_38] : memref<256x128xi32, #tpu.memory_space<hbm>> -> memref<1x128xi32, #tpu.memory_space<hbm>>
        %dma_start3A_40 = tpu.memref_squeeze %dma_start3A_39 : memref<1x128xi32, #tpu.memory_space<hbm>> -> memref<128xi32, #tpu.memory_space<hbm>>
        %dma_start3A_41 = arith.constant 0 : i32
        %dma_start3A_42 = tpu.memref_slice %arg15[%dma_start3A_41] : memref<144xi32, #tpu.memory_space<vmem>> -> memref<128xi32, #tpu.memory_space<vmem>>
        %dma_start3A_43 = arith.constant 0 : i32
        %dma_start3A_44 = tpu.memref_slice %arg5[%add3A_12, %dma_start3A_43] : memref<256x128xi32, #tpu.memory_space<hbm>> -> memref<1x128xi32, #tpu.memory_space<hbm>>
        %dma_start3A_45 = tpu.memref_squeeze %dma_start3A_44 : memref<1x128xi32, #tpu.memory_space<hbm>> -> memref<128xi32, #tpu.memory_space<hbm>>
        tpu.enqueue_dma source(%dma_start3A_45 : memref<128xi32, #tpu.memory_space<hbm>>) target(%dma_start3A_42 : memref<128xi32, #tpu.memory_space<vmem>>) target_semaphore(%run_scoped3A : memref<!tpu.dma_semaphore, #tpu.memory_space<semaphore_mem>>)
        %dma_wait3A = arith.constant 0 : i32
        %dma_wait3A_46 = tpu.memref_slice %arg15[%dma_wait3A] : memref<144xi32, #tpu.memory_space<vmem>> -> memref<128xi32, #tpu.memory_space<vmem>>
        %dma_wait3A_47 = arith.constant 0 : i32
        %dma_wait3A_48 = tpu.memref_slice %arg5[%add3A_12, %dma_wait3A_47] : memref<256x128xi32, #tpu.memory_space<hbm>> -> memref<1x128xi32, #tpu.memory_space<hbm>>
        %dma_wait3A_49 = tpu.memref_squeeze %dma_wait3A_48 : memref<1x128xi32, #tpu.memory_space<hbm>> -> memref<128xi32, #tpu.memory_space<hbm>>
        %dma_wait3A_50 = arith.constant 0 : i32
        %dma_wait3A_51 = tpu.memref_slice %arg15[%dma_wait3A_50] : memref<144xi32, #tpu.memory_space<vmem>> -> memref<128xi32, #tpu.memory_space<vmem>>
        %dma_wait3A_52 = arith.constant 0 : i32
        %dma_wait3A_53 = tpu.memref_slice %arg5[%add3A_12, %dma_wait3A_52] : memref<256x128xi32, #tpu.memory_space<hbm>> -> memref<1x128xi32, #tpu.memory_space<hbm>>
        %dma_wait3A_54 = tpu.memref_squeeze %dma_wait3A_53 : memref<1x128xi32, #tpu.memory_space<hbm>> -> memref<128xi32, #tpu.memory_space<hbm>>
        tpu.wait_dma2 semaphore(%run_scoped3A : memref<!tpu.dma_semaphore, #tpu.memory_space<semaphore_mem>>) src(%dma_wait3A_54 : memref<128xi32, #tpu.memory_space<hbm>>) dst(%dma_wait3A_51 : memref<128xi32, #tpu.memory_space<vmem>>)
        tpu.yield
      }) : () -> ()
      %scan3A_13 = arith.constant 0 : i32
      %scan3A_14 = arith.constant 0 : i32
      %scan3A_15 = arith.constant 128 : i32
      %scan3A_16 = arith.addi %scan3A_14, %scan3A_15 : i32
      %scan3A_17 = arith.constant 1 : i32
      scf.for %scan3A_37 = %scan3A_14 to %scan3A_16 step %scan3A_17  : i32 {
        %swap3A = arith.index_cast %scan3A_37 : i32 to index
        %swap3A_38 = arith.constant 0 : index
        %swap3A_39 = tpu.vector_load %arg20[%swap3A, %swap3A_38] {strides = array<i32>} : memref<128x64xf32, #tpu.memory_space<vmem>>, vector<16xf32>,
        tpu.vector_store %arg20[%swap3A, %swap3A_38], %broadcast_in_dim3A_1 {strides = array<i32>} : memref<128x64xf32, #tpu.memory_space<vmem>>, vector<16xf32>,
        %swap3A_40 = arith.index_cast %scan3A_37 : i32 to index
        %swap3A_41 = arith.constant 16 : index
        %swap3A_42 = tpu.vector_load %arg20[%swap3A_40, %swap3A_41] {strides = array<i32>} : memref<128x64xf32, #tpu.memory_space<vmem>>, vector<16xf32>,
        tpu.vector_store %arg20[%swap3A_40, %swap3A_41], %broadcast_in_dim3A_1 {strides = array<i32>} : memref<128x64xf32, #tpu.memory_space<vmem>>, vector<16xf32>,
        %swap3A_43 = arith.index_cast %scan3A_37 : i32 to index
        %swap3A_44 = arith.constant 32 : index
        %swap3A_45 = tpu.vector_load %arg20[%swap3A_43, %swap3A_44] {strides = array<i32>} : memref<128x64xf32, #tpu.memory_space<vmem>>, vector<16xf32>,
        tpu.vector_store %arg20[%swap3A_43, %swap3A_44], %broadcast_in_dim3A_1 {strides = array<i32>} : memref<128x64xf32, #tpu.memory_space<vmem>>, vector<16xf32>,
        %swap3A_46 = arith.index_cast %scan3A_37 : i32 to index
        %swap3A_47 = arith.constant 48 : index
        %swap3A_48 = tpu.vector_load %arg20[%swap3A_46, %swap3A_47] {strides = array<i32>} : memref<128x64xf32, #tpu.memory_space<vmem>>, vector<16xf32>,
        tpu.vector_store %arg20[%swap3A_46, %swap3A_47], %broadcast_in_dim3A_1 {strides = array<i32>} : memref<128x64xf32, #tpu.memory_space<vmem>>, vector<16xf32>,
        %swap3A_49 = arith.index_cast %scan3A_37 : i32 to index
        %swap3A_50 = arith.constant 0 : index
        %swap3A_51 = tpu.vector_load %arg21[%swap3A_49, %swap3A_50] {strides = array<i32>} : memref<128x320xf32, #tpu.memory_space<vmem>>, vector<16xf32>,
        tpu.vector_store %arg21[%swap3A_49, %swap3A_50], %broadcast_in_dim3A_1 {strides = array<i32>} : memref<128x320xf32, #tpu.memory_space<vmem>>, vector<16xf32>,
        %swap3A_52 = arith.index_cast %scan3A_37 : i32 to index
        %swap3A_53 = arith.constant 16 : index
        %swap3A_54 = tpu.vector_load %arg21[%swap3A_52, %swap3A_53] {strides = array<i32>} : memref<128x320xf32, #tpu.memory_space<vmem>>, vector<16xf32>,
        tpu.vector_store %arg21[%swap3A_52, %swap3A_53], %broadcast_in_dim3A_1 {strides = array<i32>} : memref<128x320xf32, #tpu.memory_space<vmem>>, vector<16xf32>,
        %swap3A_55 = arith.index_cast %scan3A_37 : i32 to index
        %swap3A_56 = arith.constant 32 : index
        %swap3A_57 = tpu.vector_load %arg21[%swap3A_55, %swap3A_56] {strides = array<i32>} : memref<128x320xf32, #tpu.memory_space<vmem>>, vector<16xf32>,
        tpu.vector_store %arg21[%swap3A_55, %swap3A_56], %broadcast_in_dim3A_1 {strides = array<i32>} : memref<128x320xf32, #tpu.memory_space<vmem>>, vector<16xf32>,
        %swap3A_58 = arith.index_cast %scan3A_37 : i32 to index
        %swap3A_59 = arith.constant 48 : index
        %swap3A_60 = tpu.vector_load %arg21[%swap3A_58, %swap3A_59] {strides = array<i32>} : memref<128x320xf32, #tpu.memory_space<vmem>>, vector<16xf32>,
        tpu.vector_store %arg21[%swap3A_58, %swap3A_59], %broadcast_in_dim3A_1 {strides = array<i32>} : memref<128x320xf32, #tpu.memory_space<vmem>>, vector<16xf32>,
        %swap3A_61 = arith.index_cast %scan3A_37 : i32 to index
        %swap3A_62 = arith.constant 64 : index
        %swap3A_63 = tpu.vector_load %arg21[%swap3A_61, %swap3A_62] {strides = array<i32>} : memref<128x320xf32, #tpu.memory_space<vmem>>, vector<16xf32>,
        tpu.vector_store %arg21[%swap3A_61, %swap3A_62], %broadcast_in_dim3A_1 {strides = array<i32>} : memref<128x320xf32, #tpu.memory_space<vmem>>, vector<16xf32>,
        %swap3A_64 = arith.index_cast %scan3A_37 : i32 to index
        %swap3A_65 = arith.constant 80 : index
        %swap3A_66 = tpu.vector_load %arg21[%swap3A_64, %swap3A_65] {strides = array<i32>} : memref<128x320xf32, #tpu.memory_space<vmem>>, vector<16xf32>,
        tpu.vector_store %arg21[%swap3A_64, %swap3A_65], %broadcast_in_dim3A_1 {strides = array<i32>} : memref<128x320xf32, #tpu.memory_space<vmem>>, vector<16xf32>,
        %swap3A_67 = arith.index_cast %scan3A_37 : i32 to index
        %swap3A_68 = arith.constant 96 : index
        %swap3A_69 = tpu.vector_load %arg21[%swap3A_67, %swap3A_68] {strides = array<i32>} : memref<128x320xf32, #tpu.memory_space<vmem>>, vector<16xf32>,
        tpu.vector_store %arg21[%swap3A_67, %swap3A_68], %broadcast_in_dim3A_1 {strides = array<i32>} : memref<128x320xf32, #tpu.memory_space<vmem>>, vector<16xf32>,
        %swap3A_70 = arith.index_cast %scan3A_37 : i32 to index
        %swap3A_71 = arith.constant 112 : index
        %swap3A_72 = tpu.vector_load %arg21[%swap3A_70, %swap3A_71] {strides = array<i32>} : memref<128x320xf32, #tpu.memory_space<vmem>>, vector<16xf32>,
        tpu.vector_store %arg21[%swap3A_70, %swap3A_71], %broadcast_in_dim3A_1 {strides = array<i32>} : memref<128x320xf32, #tpu.memory_space<vmem>>, vector<16xf32>,
        %swap3A_73 = arith.index_cast %scan3A_37 : i32 to index
        %swap3A_74 = arith.constant 128 : index
        %swap3A_75 = tpu.vector_load %arg21[%swap3A_73, %swap3A_74] {strides = array<i32>} : memref<128x320xf32, #tpu.memory_space<vmem>>, vector<16xf32>,
        tpu.vector_store %arg21[%swap3A_73, %swap3A_74], %broadcast_in_dim3A_1 {strides = array<i32>} : memref<128x320xf32, #tpu.memory_space<vmem>>, vector<16xf32>,
        %swap3A_76 = arith.index_cast %scan3A_37 : i32 to index
        %swap3A_77 = arith.constant 144 : index
        %swap3A_78 = tpu.vector_load %arg21[%swap3A_76, %swap3A_77] {strides = array<i32>} : memref<128x320xf32, #tpu.memory_space<vmem>>, vector<16xf32>,
        tpu.vector_store %arg21[%swap3A_76, %swap3A_77], %broadcast_in_dim3A_1 {strides = array<i32>} : memref<128x320xf32, #tpu.memory_space<vmem>>, vector<16xf32>,
        %swap3A_79 = arith.index_cast %scan3A_37 : i32 to index
        %swap3A_80 = arith.constant 160 : index
        %swap3A_81 = tpu.vector_load %arg21[%swap3A_79, %swap3A_80] {strides = array<i32>} : memref<128x320xf32, #tpu.memory_space<vmem>>, vector<16xf32>,
        tpu.vector_store %arg21[%swap3A_79, %swap3A_80], %broadcast_in_dim3A_1 {strides = array<i32>} : memref<128x320xf32, #tpu.memory_space<vmem>>, vector<16xf32>,
        %swap3A_82 = arith.index_cast %scan3A_37 : i32 to index
        %swap3A_83 = arith.constant 176 : index
        %swap3A_84 = tpu.vector_load %arg21[%swap3A_82, %swap3A_83] {strides = array<i32>} : memref<128x320xf32, #tpu.memory_space<vmem>>, vector<16xf32>,
        tpu.vector_store %arg21[%swap3A_82, %swap3A_83], %broadcast_in_dim3A_1 {strides = array<i32>} : memref<128x320xf32, #tpu.memory_space<vmem>>, vector<16xf32>,
        %swap3A_85 = arith.index_cast %scan3A_37 : i32 to index
        %swap3A_86 = arith.constant 192 : index
        %swap3A_87 = tpu.vector_load %arg21[%swap3A_85, %swap3A_86] {strides = array<i32>} : memref<128x320xf32, #tpu.memory_space<vmem>>, vector<16xf32>,
        tpu.vector_store %arg21[%swap3A_85, %swap3A_86], %broadcast_in_dim3A_1 {strides = array<i32>} : memref<128x320xf32, #tpu.memory_space<vmem>>, vector<16xf32>,
        %swap3A_88 = arith.index_cast %scan3A_37 : i32 to index
        %swap3A_89 = arith.constant 208 : index
        %swap3A_90 = tpu.vector_load %arg21[%swap3A_88, %swap3A_89] {strides = array<i32>} : memref<128x320xf32, #tpu.memory_space<vmem>>, vector<16xf32>,
        tpu.vector_store %arg21[%swap3A_88, %swap3A_89], %broadcast_in_dim3A_1 {strides = array<i32>} : memref<128x320xf32, #tpu.memory_space<vmem>>, vector<16xf32>,
        %swap3A_91 = arith.index_cast %scan3A_37 : i32 to index
        %swap3A_92 = arith.constant 224 : index
        %swap3A_93 = tpu.vector_load %arg21[%swap3A_91, %swap3A_92] {strides = array<i32>} : memref<128x320xf32, #tpu.memory_space<vmem>>, vector<16xf32>,
        tpu.vector_store %arg21[%swap3A_91, %swap3A_92], %broadcast_in_dim3A_1 {strides = array<i32>} : memref<128x320xf32, #tpu.memory_space<vmem>>, vector<16xf32>,
        %swap3A_94 = arith.index_cast %scan3A_37 : i32 to index
        %swap3A_95 = arith.constant 240 : index
        %swap3A_96 = tpu.vector_load %arg21[%swap3A_94, %swap3A_95] {strides = array<i32>} : memref<128x320xf32, #tpu.memory_space<vmem>>, vector<16xf32>,
        tpu.vector_store %arg21[%swap3A_94, %swap3A_95], %broadcast_in_dim3A_1 {strides = array<i32>} : memref<128x320xf32, #tpu.memory_space<vmem>>, vector<16xf32>,
        %swap3A_97 = arith.index_cast %scan3A_37 : i32 to index
        %swap3A_98 = arith.constant 256 : index
        %swap3A_99 = tpu.vector_load %arg21[%swap3A_97, %swap3A_98] {strides = array<i32>} : memref<128x320xf32, #tpu.memory_space<vmem>>, vector<16xf32>,
        tpu.vector_store %arg21[%swap3A_97, %swap3A_98], %broadcast_in_dim3A_1 {strides = array<i32>} : memref<128x320xf32, #tpu.memory_space<vmem>>, vector<16xf32>,
        %swap3A_100 = arith.index_cast %scan3A_37 : i32 to index
        %swap3A_101 = arith.constant 272 : index
        %swap3A_102 = tpu.vector_load %arg21[%swap3A_100, %swap3A_101] {strides = array<i32>} : memref<128x320xf32, #tpu.memory_space<vmem>>, vector<16xf32>,
        tpu.vector_store %arg21[%swap3A_100, %swap3A_101], %broadcast_in_dim3A_1 {strides = array<i32>} : memref<128x320xf32, #tpu.memory_space<vmem>>, vector<16xf32>,
        %swap3A_103 = arith.index_cast %scan3A_37 : i32 to index
        %swap3A_104 = arith.constant 288 : index
        %swap3A_105 = tpu.vector_load %arg21[%swap3A_103, %swap3A_104] {strides = array<i32>} : memref<128x320xf32, #tpu.memory_space<vmem>>, vector<16xf32>,
        tpu.vector_store %arg21[%swap3A_103, %swap3A_104], %broadcast_in_dim3A_1 {strides = array<i32>} : memref<128x320xf32, #tpu.memory_space<vmem>>, vector<16xf32>,
        %swap3A_106 = arith.index_cast %scan3A_37 : i32 to index
        %swap3A_107 = arith.constant 304 : index
        %swap3A_108 = tpu.vector_load %arg21[%swap3A_106, %swap3A_107] {strides = array<i32>} : memref<128x320xf32, #tpu.memory_space<vmem>>, vector<16xf32>,
        tpu.vector_store %arg21[%swap3A_106, %swap3A_107], %broadcast_in_dim3A_1 {strides = array<i32>} : memref<128x320xf32, #tpu.memory_space<vmem>>, vector<16xf32>,
      }
      %scan3A_18 = arith.constant 128 : i32
      %scan3A_19 = arith.constant 0 : i32
      %scan3A_20 = arith.constant 0 : i32
      %scan3A_21 = arith.constant 128 : i32
      %scan3A_22 = arith.addi %scan3A_20, %scan3A_21 : i32
      %scan3A_23 = arith.constant 1 : i32
      scf.for %scan3A_37 = %scan3A_20 to %scan3A_22 step %scan3A_23  : i32 {
        %get3A = arith.index_cast %scan3A_37 : i32 to index
        %get3A_38 = tpu.vector_load %arg12[%get3A] {strides = array<i32>} : memref<144xf32, #tpu.memory_space<vmem>>, vector<16xf32>,
        %slice3A = vector.extract_strided_slice %get3A_38 {offsets = [0], sizes = [1], strides = [1]} : vector<16xf32> to vector<1xf32>
        %squeeze3A = vector.extract %slice3A[0] : f32 from vector<1xf32>
        %get3A_39 = arith.index_cast %scan3A_37 : i32 to index
        %get3A_40 = tpu.vector_load %arg13[%get3A_39] {strides = array<i32>} : memref<144xf32, #tpu.memory_space<vmem>>, vector<16xf32>,
        %slice3A_41 = vector.extract_strided_slice %get3A_40 {offsets = [0], sizes = [1], strides = [1]} : vector<16xf32> to vector<1xf32>
        %squeeze3A_42 = vector.extract %slice3A_41[0] : f32 from vector<1xf32>
        %get3A_43 = arith.index_cast %scan3A_37 : i32 to index
        %get3A_44 = tpu.vector_load %arg14[%get3A_43] {strides = array<i32>} : memref<144xf32, #tpu.memory_space<vmem>>, vector<16xf32>,
        %slice3A_45 = vector.extract_strided_slice %get3A_44 {offsets = [0], sizes = [1], strides = [1]} : vector<16xf32> to vector<1xf32>
        %squeeze3A_46 = vector.extract %slice3A_45[0] : f32 from vector<1xf32>
        %broadcast_in_dim3A_47 = vector.broadcast %scan3A_37 : i32 to vector<16xi32>
        %scan3A_48 = arith.constant 0 : i32
        %scan3A_49 = arith.constant 0 : i32
        %scan3A_50 = arith.constant 8 : i32
        %scan3A_51 = arith.addi %scan3A_49, %scan3A_50 : i32
        %scan3A_52 = arith.constant 1 : i32
        %scan3A_53 = scf.for %scan3A_57 = %scan3A_49 to %scan3A_51 step %scan3A_52 iter_args(%scan3A_58 = %scan3A_48) -> (i32)  : i32 {
          %mul3A_59 = arith.constant 16 : i32
          %mul3A_60 = arith.muli %scan3A_57, %mul3A_59 : i32
          %get3A_61 = arith.index_cast %mul3A_60 : i32 to index
          %get3A_62 = tpu.vector_load %arg12[%get3A_61] {strides = array<i32>} : memref<144xf32, #tpu.memory_space<vmem>>, vector<16xf32>,
          %get3A_63 = arith.index_cast %mul3A_60 : i32 to index
          %get3A_64 = tpu.vector_load %arg13[%get3A_63] {strides = array<i32>} : memref<144xf32, #tpu.memory_space<vmem>>, vector<16xf32>,
          %get3A_65 = arith.index_cast %mul3A_60 : i32 to index
          %get3A_66 = tpu.vector_load %arg14[%get3A_65] {strides = array<i32>} : memref<144xf32, #tpu.memory_space<vmem>>, vector<16xf32>,
          %sub3A = vector.broadcast %squeeze3A : f32 to vector<16xf32>
          %sub3A_67 = arith.subf %sub3A, %get3A_62 : vector<16xf32>
          %sub3A_68 = vector.broadcast %squeeze3A_42 : f32 to vector<16xf32>
          %sub3A_69 = arith.subf %sub3A_68, %get3A_64 : vector<16xf32>
          %sub3A_70 = vector.broadcast %squeeze3A_46 : f32 to vector<16xf32>
          %sub3A_71 = arith.subf %sub3A_70, %get3A_66 : vector<16xf32>
          %mul3A_72 = arith.mulf %sub3A_67, %sub3A_67 : vector<16xf32>
          %mul3A_73 = arith.mulf %sub3A_69, %sub3A_69 : vector<16xf32>
          %add3A_74 = arith.addf %mul3A_72, %mul3A_73 : vector<16xf32>
          %mul3A_75 = arith.mulf %sub3A_71, %sub3A_71 : vector<16xf32>
          %add3A_76 = arith.addf %add3A_74, %mul3A_75 : vector<16xf32>
          %add3A_77 = vector.broadcast %mul3A_60 : i32 to vector<16xi32>
          %add3A_78 = arith.addi %iota3A, %add3A_77 : vector<16xi32>
          %le3A = vector.broadcast %scan3A_2 : f32 to vector<16xf32>
          %le3A_79 = arith.cmpf ole, %add3A_76, %le3A : vector<16xf32>
          %ne3A = vector.broadcast %scan3A_37 : i32 to vector<16xi32>
          %ne3A_80 = arith.cmpi ne, %add3A_78, %ne3A : vector<16xi32>
          %and3A = arith.andi %le3A_79, %ne3A_80 : vector<16xi1>
          %max3A = arith.constant 9.99999996E-13 : f32
          %max3A_81 = vector.broadcast %max3A : f32 to vector<16xf32>
          %max3A_82 = arith.maximumf %add3A_76, %max3A_81 : vector<16xf32>
          %bitcast3A = vector.bitcast %max3A_82 : vector<16xf32> to vector<16xi32>
          %shift_right_arithmetic3A = arith.constant 1 : i32
          %shift_right_arithmetic3A_83 = vector.broadcast %shift_right_arithmetic3A : i32 to vector<16xi32>
          %shift_right_arithmetic3A_84 = arith.shrsi %bitcast3A, %shift_right_arithmetic3A_83 : vector<16xi32>
          %sub3A_85 = arith.constant 1597463007 : i32
          %sub3A_86 = vector.broadcast %sub3A_85 : i32 to vector<16xi32>
          %sub3A_87 = arith.subi %sub3A_86, %shift_right_arithmetic3A_84 : vector<16xi32>
          %bitcast3A_88 = vector.bitcast %sub3A_87 : vector<16xi32> to vector<16xf32>
          %mul3A_89 = arith.constant 5.000000e-01 : f32
          %mul3A_90 = vector.broadcast %mul3A_89 : f32 to vector<16xf32>
          %mul3A_91 = arith.mulf %mul3A_90, %max3A_82 : vector<16xf32>
          %mul3A_92 = arith.mulf %mul3A_91, %bitcast3A_88 : vector<16xf32>
          %mul3A_93 = arith.mulf %mul3A_92, %bitcast3A_88 : vector<16xf32>
          %sub3A_94 = arith.constant 1.500000e+00 : f32
          %sub3A_95 = vector.broadcast %sub3A_94 : f32 to vector<16xf32>
          %sub3A_96 = arith.subf %sub3A_95, %mul3A_93 : vector<16xf32>
          %mul3A_97 = arith.mulf %bitcast3A_88, %sub3A_96 : vector<16xf32>
          %mul3A_98 = arith.constant 5.000000e-01 : f32
          %mul3A_99 = vector.broadcast %mul3A_98 : f32 to vector<16xf32>
          %mul3A_100 = arith.mulf %mul3A_99, %max3A_82 : vector<16xf32>
          %mul3A_101 = arith.mulf %mul3A_100, %mul3A_97 : vector<16xf32>
          %mul3A_102 = arith.mulf %mul3A_101, %mul3A_97 : vector<16xf32>
          %sub3A_103 = arith.constant 1.500000e+00 : f32
          %sub3A_104 = vector.broadcast %sub3A_103 : f32 to vector<16xf32>
          %sub3A_105 = arith.subf %sub3A_104, %mul3A_102 : vector<16xf32>
          %mul3A_106 = arith.mulf %mul3A_97, %sub3A_105 : vector<16xf32>
          %mul3A_107 = arith.constant 5.000000e-01 : f32
          %mul3A_108 = vector.broadcast %mul3A_107 : f32 to vector<16xf32>
          %mul3A_109 = arith.mulf %mul3A_108, %max3A_82 : vector<16xf32>
          %mul3A_110 = arith.mulf %mul3A_109, %mul3A_106 : vector<16xf32>
          %mul3A_111 = arith.mulf %mul3A_110, %mul3A_106 : vector<16xf32>
          %sub3A_112 = arith.constant 1.500000e+00 : f32
          %sub3A_113 = vector.broadcast %sub3A_112 : f32 to vector<16xf32>
          %sub3A_114 = arith.subf %sub3A_113, %mul3A_111 : vector<16xf32>
          %mul3A_115 = arith.mulf %mul3A_106, %sub3A_114 : vector<16xf32>
          %mul3A_116 = arith.mulf %add3A_76, %mul3A_115 : vector<16xf32>
          %jit3A = arith.constant 1 : i32
          %jit3A_117 = arith.constant 0 : i32
          %broadcast_in_dim3A_118 = vector.broadcast %jit3A : i32 to vector<16xi32>
          %broadcast_in_dim3A_119 = vector.broadcast %jit3A_117 : i32 to vector<16xi32>
          %select_n3A = arith.select %and3A, %broadcast_in_dim3A_118, %broadcast_in_dim3A_119 : vector<16xi1>, vector<16xi32>
          %broadcast_in_dim3A_120 = arith.constant true
          %broadcast_in_dim3A_121 = vector.broadcast %broadcast_in_dim3A_120 : i1 to vector<16xi1>
          %masked_cumsum3A = tpu.scan <sum>, %select_n3A masked %broadcast_in_dim3A_121 : vector<16xi32>, vector<16xi1> -> vector<16xi32>
          %add3A_122 = vector.broadcast %scan3A_58 : i32 to vector<16xi32>
          %add3A_123 = arith.addi %add3A_122, %masked_cumsum3A : vector<16xi32>
          %sub3A_124 = arith.constant 1 : i32
          %sub3A_125 = vector.broadcast %sub3A_124 : i32 to vector<16xi32>
          %sub3A_126 = arith.subi %add3A_123, %sub3A_125 : vector<16xi32>
          %min3A_127 = arith.constant 31 : i32
          %min3A_128 = vector.broadcast %min3A_127 : i32 to vector<16xi32>
          %min3A_129 = arith.minsi %sub3A_126, %min3A_128 : vector<16xi32>
          tpu.vector_store_idx %arg22[%broadcast_in_dim3A_47, %min3A_129], %mul3A_116 masked %and3A : memref<128x48xf32, #tpu.memory_space<vmem>>[vector<16xi32>, vector<16xi32>], vector<16xf32>, vector<16xi1>
          tpu.vector_store_idx %arg23[%broadcast_in_dim3A_47, %min3A_129], %add3A_78 masked %and3A : memref<128x48xi32, #tpu.memory_space<vmem>>[vector<16xi32>, vector<16xi32>], vector<16xi32>, vector<16xi1>
          %reduce_max3A = arith.constant true
          %reduce_max3A_130 = vector.broadcast %reduce_max3A : i1 to vector<16xi1>
          %reduce_max3A_131 = arith.constant -2147483648 : i32
          %reduce_max3A_132 = vector.broadcast %reduce_max3A_131 : i32 to vector<16xi32>
          %reduce_max3A_133 = arith.xori %masked_cumsum3A, %reduce_max3A_132 : vector<16xi32>
          %reduce_max3A_134 = tpu.scan <max>, %reduce_max3A_133 masked %reduce_max3A_130 : vector<16xi32>, vector<16xi1> -> vector<16xi32>
          %reduce_max3A_135 = arith.xori %reduce_max3A_134, %reduce_max3A_132 : vector<16xi32>
          %reduce_max3A_136 = vector.extract %reduce_max3A_135[15] : i32 from vector<16xi32>
          %add3A_137 = arith.addi %scan3A_58, %reduce_max3A_136 : i32
          scf.yield %add3A_137 : i32
        }
        %scan3A_54 = arith.constant 8 : i32
        %min3A = arith.constant 32 : i32
        %min3A_55 = arith.minsi %scan3A_53, %min3A : i32
        %swap3A = arith.index_cast %scan3A_37 : i32 to index
        %swap3A_56 = memref.load %arg30[%swap3A] : memref<128xi32, #tpu.memory_space<smem>>
        memref.store %min3A_55, %arg30[%swap3A] : memref<128xi32, #tpu.memory_space<smem>>
      }
      %scan3A_24 = arith.constant 128 : i32
      %scan3A_25 = arith.constant 0 : i32
      %scan3A_26 = arith.constant 0 : i32
      %scan3A_27 = arith.constant 128 : i32
      %scan3A_28 = arith.addi %scan3A_26, %scan3A_27 : i32
      %scan3A_29 = arith.constant 1 : i32
      scf.for %scan3A_37 = %scan3A_26 to %scan3A_28 step %scan3A_29  : i32 {
        %get3A = arith.index_cast %scan3A_37 : i32 to index
        %get3A_38 = memref.load %arg30[%get3A] : memref<128xi32, #tpu.memory_space<smem>>
        %while3A = arith.constant 0 : i32
        %while3A_39 = arith.constant 0 : i32
        %while3A_40 = arith.subi %get3A_38, %while3A_39 : i32
        %while3A_41 = arith.addi %while3A_39, %while3A_40 : i32
        %while3A_42 = arith.constant 1 : i32
        %while3A_43 = arith.divsi %while3A_40, %while3A_42 : i32
        %while3A_44 = arith.muli %while3A_43, %while3A_42 : i32
        %while3A_45 = arith.addi %while3A_39, %while3A_44 : i32
        %while3A_46 = arith.constant 1 : i32
        scf.for %while3A_48 = %while3A_39 to %while3A_45 step %while3A_46  : i32 {
          %get3A_49 = arith.index_cast %scan3A_37 : i32 to index
          %get3A_50 = arith.index_cast %while3A_48 : i32 to index
          %get3A_51 = tpu.vector_load %arg22[%get3A_49, %get3A_50] {strides = array<i32>} : memref<128x48xf32, #tpu.memory_space<vmem>>, vector<16xf32>,
          %slice3A = vector.extract_strided_slice %get3A_51 {offsets = [0], sizes = [1], strides = [1]} : vector<16xf32> to vector<1xf32>
          %squeeze3A = vector.extract %slice3A[0] : f32 from vector<1xf32>
          %broadcast_in_dim3A_52 = vector.broadcast %squeeze3A : f32 to vector<16xf32>
          %mul3A_53 = arith.constant 0.302076221 : f32
          %mul3A_54 = vector.broadcast %mul3A_53 : f32 to vector<16xf32>
          %mul3A_55 = arith.mulf %broadcast_in_dim3A_52, %mul3A_54 : vector<16xf32>
          %mul3A_56 = arith.mulf %mul3A_55, %mul3A_55 : vector<16xf32>
          %broadcast_in_dim3A_57 = arith.constant -2.61150234E-7 : f32
          %broadcast_in_dim3A_58 = vector.broadcast %broadcast_in_dim3A_57 : f32 to vector<16xf32>
          %mul3A_59 = arith.mulf %broadcast_in_dim3A_58, %mul3A_56 : vector<16xf32>
          %add3A_60 = arith.constant 2.47637709E-5 : f32
          %add3A_61 = vector.broadcast %add3A_60 : f32 to vector<16xf32>
          %add3A_62 = arith.addf %mul3A_59, %add3A_61 : vector<16xf32>
          %mul3A_63 = arith.mulf %add3A_62, %mul3A_56 : vector<16xf32>
          %add3A_64 = arith.constant -0.00138884329 : f32
          %add3A_65 = vector.broadcast %add3A_64 : f32 to vector<16xf32>
          %add3A_66 = arith.addf %mul3A_63, %add3A_65 : vector<16xf32>
          %mul3A_67 = arith.mulf %add3A_66, %mul3A_56 : vector<16xf32>
          %add3A_68 = arith.constant 0.0416666418 : f32
          %add3A_69 = vector.broadcast %add3A_68 : f32 to vector<16xf32>
          %add3A_70 = arith.addf %mul3A_67, %add3A_69 : vector<16xf32>
          %mul3A_71 = arith.mulf %add3A_70, %mul3A_56 : vector<16xf32>
          %add3A_72 = arith.constant -5.000000e-01 : f32
          %add3A_73 = vector.broadcast %add3A_72 : f32 to vector<16xf32>
          %add3A_74 = arith.addf %mul3A_71, %add3A_73 : vector<16xf32>
          %mul3A_75 = arith.mulf %add3A_74, %mul3A_56 : vector<16xf32>
          %add3A_76 = arith.constant 1.000000e+00 : f32
          %add3A_77 = vector.broadcast %add3A_76 : f32 to vector<16xf32>
          %add3A_78 = arith.addf %mul3A_75, %add3A_77 : vector<16xf32>
          %mul3A_79 = arith.mulf %add3A_78, %add3A_78 : vector<16xf32>
          %get3A_80 = arith.index_cast %scan3A_37 : i32 to index
          %get3A_81 = arith.index_cast %while3A_48 : i32 to index
          %get3A_82 = tpu.vector_load %arg23[%get3A_80, %get3A_81] {strides = array<i32>} : memref<128x48xi32, #tpu.memory_space<vmem>>, vector<16xi32>,
          %slice3A_83 = vector.extract_strided_slice %get3A_82 {offsets = [0], sizes = [1], strides = [1]} : vector<16xi32> to vector<1xi32>
          %squeeze3A_84 = vector.extract %slice3A_83[0] : i32 from vector<1xi32>
          %get3A_85 = arith.index_cast %squeeze3A_84 : i32 to index
          %get3A_86 = tpu.vector_load %arg15[%get3A_85] {strides = array<i32>} : memref<144xi32, #tpu.memory_space<vmem>>, vector<16xi32>,
          %slice3A_87 = vector.extract_strided_slice %get3A_86 {offsets = [0], sizes = [1], strides = [1]} : vector<16xi32> to vector<1xi32>
          %squeeze3A_88 = vector.extract %slice3A_87[0] : i32 from vector<1xi32>
          %get3A_89 = arith.constant 0 : index
          %get3A_90 = tpu.vector_load %arg16[%get3A_89] {strides = array<i32>} : memref<16xf32, #tpu.memory_space<vmem>>, vector<16xf32>,
          %sub3A = arith.subf %broadcast_in_dim3A_52, %get3A_90 : vector<16xf32>
          %mul3A_91 = arith.constant 2.500000e-01 : f32
          %mul3A_92 = vector.broadcast %mul3A_91 : f32 to vector<16xf32>
          %mul3A_93 = arith.mulf %mul3A_92, %mul3A_79 : vector<16xf32>
          %mul3A_94 = arith.mulf %sub3A, %sub3A : vector<16xf32>
          %mul3A_95 = arith.constant -1.600000e+01 : f32
          %mul3A_96 = vector.broadcast %mul3A_95 : f32 to vector<16xf32>
          %mul3A_97 = arith.mulf %mul3A_94, %mul3A_96 : vector<16xf32>
          %exp3A = math.exp %mul3A_97 : vector<16xf32>
          %mul3A_98 = arith.mulf %mul3A_93, %exp3A : vector<16xf32>
          %mul3A_99 = arith.constant 16 : i32
          %mul3A_100 = arith.muli %squeeze3A_88, %mul3A_99 : i32
          %get3A_101 = arith.index_cast %scan3A_37 : i32 to index
          %get3A_102 = arith.index_cast %mul3A_100 : i32 to index
          %get3A_103 = tpu.vector_load %arg20[%get3A_101, %get3A_102] {strides = array<i32>} : memref<128x64xf32, #tpu.memory_space<vmem>>, vector<16xf32>,
          %add3A_104 = arith.addf %get3A_103, %mul3A_98 : vector<16xf32>
          %swap3A = arith.index_cast %scan3A_37 : i32 to index
          %swap3A_105 = arith.index_cast %mul3A_100 : i32 to index
          %swap3A_106 = tpu.vector_load %arg20[%swap3A, %swap3A_105] {strides = array<i32>} : memref<128x64xf32, #tpu.memory_space<vmem>>, vector<16xf32>,
          tpu.vector_store %arg20[%swap3A, %swap3A_105], %add3A_104 {strides = array<i32>} : memref<128x64xf32, #tpu.memory_space<vmem>>, vector<16xf32>,
        }
        %while3A_47 = arith.constant 1 : i32
        scf.for %while3A_48 = %while3A_45 to %while3A_41 step %while3A_47  : i32 {
          %get3A_49 = arith.index_cast %scan3A_37 : i32 to index
          %get3A_50 = arith.index_cast %while3A_48 : i32 to index
          %get3A_51 = tpu.vector_load %arg22[%get3A_49, %get3A_50] {strides = array<i32>} : memref<128x48xf32, #tpu.memory_space<vmem>>, vector<16xf32>,
          %slice3A = vector.extract_strided_slice %get3A_51 {offsets = [0], sizes = [1], strides = [1]} : vector<16xf32> to vector<1xf32>
          %squeeze3A = vector.extract %slice3A[0] : f32 from vector<1xf32>
          %broadcast_in_dim3A_52 = vector.broadcast %squeeze3A : f32 to vector<16xf32>
          %mul3A_53 = arith.constant 0.302076221 : f32
          %mul3A_54 = vector.broadcast %mul3A_53 : f32 to vector<16xf32>
          %mul3A_55 = arith.mulf %broadcast_in_dim3A_52, %mul3A_54 : vector<16xf32>
          %mul3A_56 = arith.mulf %mul3A_55, %mul3A_55 : vector<16xf32>
          %broadcast_in_dim3A_57 = arith.constant -2.61150234E-7 : f32
          %broadcast_in_dim3A_58 = vector.broadcast %broadcast_in_dim3A_57 : f32 to vector<16xf32>
          %mul3A_59 = arith.mulf %broadcast_in_dim3A_58, %mul3A_56 : vector<16xf32>
          %add3A_60 = arith.constant 2.47637709E-5 : f32
          %add3A_61 = vector.broadcast %add3A_60 : f32 to vector<16xf32>
          %add3A_62 = arith.addf %mul3A_59, %add3A_61 : vector<16xf32>
          %mul3A_63 = arith.mulf %add3A_62, %mul3A_56 : vector<16xf32>
          %add3A_64 = arith.constant -0.00138884329 : f32
          %add3A_65 = vector.broadcast %add3A_64 : f32 to vector<16xf32>
          %add3A_66 = arith.addf %mul3A_63, %add3A_65 : vector<16xf32>
          %mul3A_67 = arith.mulf %add3A_66, %mul3A_56 : vector<16xf32>
          %add3A_68 = arith.constant 0.0416666418 : f32
          %add3A_69 = vector.broadcast %add3A_68 : f32 to vector<16xf32>
          %add3A_70 = arith.addf %mul3A_67, %add3A_69 : vector<16xf32>
          %mul3A_71 = arith.mulf %add3A_70, %mul3A_56 : vector<16xf32>
          %add3A_72 = arith.constant -5.000000e-01 : f32
          %add3A_73 = vector.broadcast %add3A_72 : f32 to vector<16xf32>
          %add3A_74 = arith.addf %mul3A_71, %add3A_73 : vector<16xf32>
          %mul3A_75 = arith.mulf %add3A_74, %mul3A_56 : vector<16xf32>
          %add3A_76 = arith.constant 1.000000e+00 : f32
          %add3A_77 = vector.broadcast %add3A_76 : f32 to vector<16xf32>
          %add3A_78 = arith.addf %mul3A_75, %add3A_77 : vector<16xf32>
          %mul3A_79 = arith.mulf %add3A_78, %add3A_78 : vector<16xf32>
          %get3A_80 = arith.index_cast %scan3A_37 : i32 to index
          %get3A_81 = arith.index_cast %while3A_48 : i32 to index
          %get3A_82 = tpu.vector_load %arg23[%get3A_80, %get3A_81] {strides = array<i32>} : memref<128x48xi32, #tpu.memory_space<vmem>>, vector<16xi32>,
          %slice3A_83 = vector.extract_strided_slice %get3A_82 {offsets = [0], sizes = [1], strides = [1]} : vector<16xi32> to vector<1xi32>
          %squeeze3A_84 = vector.extract %slice3A_83[0] : i32 from vector<1xi32>
          %get3A_85 = arith.index_cast %squeeze3A_84 : i32 to index
          %get3A_86 = tpu.vector_load %arg15[%get3A_85] {strides = array<i32>} : memref<144xi32, #tpu.memory_space<vmem>>, vector<16xi32>,
          %slice3A_87 = vector.extract_strided_slice %get3A_86 {offsets = [0], sizes = [1], strides = [1]} : vector<16xi32> to vector<1xi32>
          %squeeze3A_88 = vector.extract %slice3A_87[0] : i32 from vector<1xi32>
          %get3A_89 = arith.constant 0 : index
          %get3A_90 = tpu.vector_load %arg16[%get3A_89] {strides = array<i32>} : memref<16xf32, #tpu.memory_space<vmem>>, vector<16xf32>,
          %sub3A = arith.subf %broadcast_in_dim3A_52, %get3A_90 : vector<16xf32>
          %mul3A_91 = arith.constant 2.500000e-01 : f32
          %mul3A_92 = vector.broadcast %mul3A_91 : f32 to vector<16xf32>
          %mul3A_93 = arith.mulf %mul3A_92, %mul3A_79 : vector<16xf32>
          %mul3A_94 = arith.mulf %sub3A, %sub3A : vector<16xf32>
          %mul3A_95 = arith.constant -1.600000e+01 : f32
          %mul3A_96 = vector.broadcast %mul3A_95 : f32 to vector<16xf32>
          %mul3A_97 = arith.mulf %mul3A_94, %mul3A_96 : vector<16xf32>
          %exp3A = math.exp %mul3A_97 : vector<16xf32>
          %mul3A_98 = arith.mulf %mul3A_93, %exp3A : vector<16xf32>
          %mul3A_99 = arith.constant 16 : i32
          %mul3A_100 = arith.muli %squeeze3A_88, %mul3A_99 : i32
          %get3A_101 = arith.index_cast %scan3A_37 : i32 to index
          %get3A_102 = arith.index_cast %mul3A_100 : i32 to index
          %get3A_103 = tpu.vector_load %arg20[%get3A_101, %get3A_102] {strides = array<i32>} : memref<128x64xf32, #tpu.memory_space<vmem>>, vector<16xf32>,
          %add3A_104 = arith.addf %get3A_103, %mul3A_98 : vector<16xf32>
          %swap3A = arith.index_cast %scan3A_37 : i32 to index
          %swap3A_105 = arith.index_cast %mul3A_100 : i32 to index
          %swap3A_106 = tpu.vector_load %arg20[%swap3A, %swap3A_105] {strides = array<i32>} : memref<128x64xf32, #tpu.memory_space<vmem>>, vector<16xf32>,
          tpu.vector_store %arg20[%swap3A, %swap3A_105], %add3A_104 {strides = array<i32>} : memref<128x64xf32, #tpu.memory_space<vmem>>, vector<16xf32>,
        }
      }
      %scan3A_30 = arith.constant 128 : i32
      %scan3A_31 = arith.constant 0 : i32
      %scan3A_32 = arith.constant 0 : i32
      %scan3A_33 = arith.constant 128 : i32
      %scan3A_34 = arith.addi %scan3A_32, %scan3A_33 : i32
      %scan3A_35 = arith.constant 1 : i32
      scf.for %scan3A_37 = %scan3A_32 to %scan3A_34 step %scan3A_35  : i32 {
        %get3A = arith.index_cast %scan3A_37 : i32 to index
        %get3A_38 = memref.load %arg30[%get3A] : memref<128xi32, #tpu.memory_space<smem>>
        %get3A_39 = arith.index_cast %scan3A_37 : i32 to index
        %get3A_40 = tpu.vector_load %arg12[%get3A_39] {strides = array<i32>} : memref<144xf32, #tpu.memory_space<vmem>>, vector<16xf32>,
        %slice3A = vector.extract_strided_slice %get3A_40 {offsets = [0], sizes = [1], strides = [1]} : vector<16xf32> to vector<1xf32>
        %squeeze3A = vector.extract %slice3A[0] : f32 from vector<1xf32>
        %broadcast_in_dim3A_41 = vector.broadcast %squeeze3A : f32 to vector<16xf32>
        %get3A_42 = arith.index_cast %scan3A_37 : i32 to index
        %get3A_43 = tpu.vector_load %arg13[%get3A_42] {strides = array<i32>} : memref<144xf32, #tpu.memory_space<vmem>>, vector<16xf32>,
        %slice3A_44 = vector.extract_strided_slice %get3A_43 {offsets = [0], sizes = [1], strides = [1]} : vector<16xf32> to vector<1xf32>
        %squeeze3A_45 = vector.extract %slice3A_44[0] : f32 from vector<1xf32>
        %broadcast_in_dim3A_46 = vector.broadcast %squeeze3A_45 : f32 to vector<16xf32>
        %get3A_47 = arith.index_cast %scan3A_37 : i32 to index
        %get3A_48 = tpu.vector_load %arg14[%get3A_47] {strides = array<i32>} : memref<144xf32, #tpu.memory_space<vmem>>, vector<16xf32>,
        %slice3A_49 = vector.extract_strided_slice %get3A_48 {offsets = [0], sizes = [1], strides = [1]} : vector<16xf32> to vector<1xf32>
        %squeeze3A_50 = vector.extract %slice3A_49[0] : f32 from vector<1xf32>
        %broadcast_in_dim3A_51 = vector.broadcast %squeeze3A_50 : f32 to vector<16xf32>
        %scan3A_52 = arith.constant 0 : i32
        %scan3A_53 = arith.constant 0 : i32
        %scan3A_54 = arith.constant 2 : i32
        %scan3A_55 = arith.addi %scan3A_53, %scan3A_54 : i32
        %scan3A_56 = arith.constant 1 : i32
        %scan3A_57 = scf.for %scan3A_68 = %scan3A_53 to %scan3A_55 step %scan3A_56 iter_args(%scan3A_69 = %scan3A_52) -> (i32)  : i32 {
          %mul3A_70 = arith.constant 16 : i32
          %mul3A_71 = arith.muli %scan3A_68, %mul3A_70 : i32
          %add3A_72 = vector.broadcast %mul3A_71 : i32 to vector<16xi32>
          %add3A_73 = arith.addi %iota3A, %add3A_72 : vector<16xi32>
          %get3A_74 = arith.index_cast %scan3A_37 : i32 to index
          %get3A_75 = arith.index_cast %mul3A_71 : i32 to index
          %get3A_76 = tpu.vector_load %arg22[%get3A_74, %get3A_75] {strides = array<i32>} : memref<128x48xf32, #tpu.memory_space<vmem>>, vector<16xf32>,
          %get3A_77 = arith.index_cast %scan3A_37 : i32 to index
          %get3A_78 = arith.index_cast %mul3A_71 : i32 to index
          %get3A_79 = tpu.vector_load %arg23[%get3A_77, %get3A_78] {strides = array<i32>} : memref<128x48xi32, #tpu.memory_space<vmem>>, vector<16xi32>,
          %lt3A = vector.broadcast %get3A_38 : i32 to vector<16xi32>
          %lt3A_80 = arith.cmpi slt, %add3A_73, %lt3A : vector<16xi32>
          %le3A = vector.broadcast %scan3A_3 : f32 to vector<16xf32>
          %le3A_81 = arith.cmpf ole, %get3A_76, %le3A : vector<16xf32>
          %and3A = arith.andi %lt3A_80, %le3A_81 : vector<16xi1>
          %mul3A_82 = arith.constant 0.448798954 : f32
          %mul3A_83 = vector.broadcast %mul3A_82 : f32 to vector<16xf32>
          %mul3A_84 = arith.mulf %get3A_76, %mul3A_83 : vector<16xf32>
          %mul3A_85 = arith.mulf %mul3A_84, %mul3A_84 : vector<16xf32>
          %broadcast_in_dim3A_86 = arith.constant -2.61150234E-7 : f32
          %broadcast_in_dim3A_87 = vector.broadcast %broadcast_in_dim3A_86 : f32 to vector<16xf32>
          %mul3A_88 = arith.mulf %broadcast_in_dim3A_87, %mul3A_85 : vector<16xf32>
          %add3A_89 = arith.constant 2.47637709E-5 : f32
          %add3A_90 = vector.broadcast %add3A_89 : f32 to vector<16xf32>
          %add3A_91 = arith.addf %mul3A_88, %add3A_90 : vector<16xf32>
          %mul3A_92 = arith.mulf %add3A_91, %mul3A_85 : vector<16xf32>
          %add3A_93 = arith.constant -0.00138884329 : f32
          %add3A_94 = vector.broadcast %add3A_93 : f32 to vector<16xf32>
          %add3A_95 = arith.addf %mul3A_92, %add3A_94 : vector<16xf32>
          %mul3A_96 = arith.mulf %add3A_95, %mul3A_85 : vector<16xf32>
          %add3A_97 = arith.constant 0.0416666418 : f32
          %add3A_98 = vector.broadcast %add3A_97 : f32 to vector<16xf32>
          %add3A_99 = arith.addf %mul3A_96, %add3A_98 : vector<16xf32>
          %mul3A_100 = arith.mulf %add3A_99, %mul3A_85 : vector<16xf32>
          %add3A_101 = arith.constant -5.000000e-01 : f32
          %add3A_102 = vector.broadcast %add3A_101 : f32 to vector<16xf32>
          %add3A_103 = arith.addf %mul3A_100, %add3A_102 : vector<16xf32>
          %mul3A_104 = arith.mulf %add3A_103, %mul3A_85 : vector<16xf32>
          %add3A_105 = arith.constant 1.000000e+00 : f32
          %add3A_106 = vector.broadcast %add3A_105 : f32 to vector<16xf32>
          %add3A_107 = arith.addf %mul3A_104, %add3A_106 : vector<16xf32>
          %mul3A_108 = arith.mulf %add3A_107, %add3A_107 : vector<16xf32>
          %jit3A = arith.constant 0 : i32
          %broadcast_in_dim3A_109 = vector.broadcast %jit3A : i32 to vector<16xi32>
          %select_n3A = arith.select %and3A, %get3A_79, %broadcast_in_dim3A_109 : vector<16xi1>, vector<16xi32>
          %gather3A = tpu.vector_load_idx %arg12[%select_n3A] : memref<144xf32, #tpu.memory_space<vmem>>[vector<16xi32>], vector<16xf32>,
          %sub3A = arith.subf %broadcast_in_dim3A_41, %gather3A : vector<16xf32>
          %gather3A_110 = tpu.vector_load_idx %arg13[%select_n3A] : memref<144xf32, #tpu.memory_space<vmem>>[vector<16xi32>], vector<16xf32>,
          %sub3A_111 = arith.subf %broadcast_in_dim3A_46, %gather3A_110 : vector<16xf32>
          %gather3A_112 = tpu.vector_load_idx %arg14[%select_n3A] : memref<144xf32, #tpu.memory_space<vmem>>[vector<16xi32>], vector<16xf32>,
          %sub3A_113 = arith.subf %broadcast_in_dim3A_51, %gather3A_112 : vector<16xf32>
          %gather3A_114 = tpu.vector_load_idx %arg15[%select_n3A] : memref<144xi32, #tpu.memory_space<vmem>>[vector<16xi32>], vector<16xi32>,
          %jit3A_115 = arith.constant 1 : i32
          %jit3A_116 = arith.constant 0 : i32
          %broadcast_in_dim3A_117 = vector.broadcast %jit3A_115 : i32 to vector<16xi32>
          %broadcast_in_dim3A_118 = vector.broadcast %jit3A_116 : i32 to vector<16xi32>
          %select_n3A_119 = arith.select %and3A, %broadcast_in_dim3A_117, %broadcast_in_dim3A_118 : vector<16xi1>, vector<16xi32>
          %broadcast_in_dim3A_120 = arith.constant true
          %broadcast_in_dim3A_121 = vector.broadcast %broadcast_in_dim3A_120 : i1 to vector<16xi1>
          %masked_cumsum3A = tpu.scan <sum>, %select_n3A_119 masked %broadcast_in_dim3A_121 : vector<16xi32>, vector<16xi1> -> vector<16xi32>
          %add3A_122 = vector.broadcast %scan3A_69 : i32 to vector<16xi32>
          %add3A_123 = arith.addi %add3A_122, %masked_cumsum3A : vector<16xi32>
          %sub3A_124 = arith.constant 1 : i32
          %sub3A_125 = vector.broadcast %sub3A_124 : i32 to vector<16xi32>
          %sub3A_126 = arith.subi %add3A_123, %sub3A_125 : vector<16xi32>
          tpu.vector_store_idx %arg24[%sub3A_126], %get3A_76 masked %and3A : memref<48xf32, #tpu.memory_space<vmem>>[vector<16xi32>], vector<16xf32>, vector<16xi1>
          tpu.vector_store_idx %arg25[%sub3A_126], %mul3A_108 masked %and3A : memref<48xf32, #tpu.memory_space<vmem>>[vector<16xi32>], vector<16xf32>, vector<16xi1>
          tpu.vector_store_idx %arg26[%sub3A_126], %sub3A masked %and3A : memref<48xf32, #tpu.memory_space<vmem>>[vector<16xi32>], vector<16xf32>, vector<16xi1>
          tpu.vector_store_idx %arg27[%sub3A_126], %sub3A_111 masked %and3A : memref<48xf32, #tpu.memory_space<vmem>>[vector<16xi32>], vector<16xf32>, vector<16xi1>
          tpu.vector_store_idx %arg28[%sub3A_126], %sub3A_113 masked %and3A : memref<48xf32, #tpu.memory_space<vmem>>[vector<16xi32>], vector<16xf32>, vector<16xi1>
          tpu.vector_store_idx %arg29[%sub3A_126], %gather3A_114 masked %and3A : memref<48xi32, #tpu.memory_space<vmem>>[vector<16xi32>], vector<16xi32>, vector<16xi1>
          %reduce_max3A = arith.constant true
          %reduce_max3A_127 = vector.broadcast %reduce_max3A : i1 to vector<16xi1>
          %reduce_max3A_128 = arith.constant -2147483648 : i32
          %reduce_max3A_129 = vector.broadcast %reduce_max3A_128 : i32 to vector<16xi32>
          %reduce_max3A_130 = arith.xori %masked_cumsum3A, %reduce_max3A_129 : vector<16xi32>
          %reduce_max3A_131 = tpu.scan <max>, %reduce_max3A_130 masked %reduce_max3A_127 : vector<16xi32>, vector<16xi1> -> vector<16xi32>
          %reduce_max3A_132 = arith.xori %reduce_max3A_131, %reduce_max3A_129 : vector<16xi32>
          %reduce_max3A_133 = vector.extract %reduce_max3A_132[15] : i32 from vector<16xi32>
          %add3A_134 = arith.addi %scan3A_69, %reduce_max3A_133 : i32
          scf.yield %add3A_134 : i32
        }
        %scan3A_58 = arith.constant 2 : i32
        %while3A = arith.constant 0 : i32
        %while3A_59 = arith.constant 0 : i32
        %while3A_60 = arith.subi %scan3A_57, %while3A_59 : i32
        %while3A_61 = arith.addi %while3A_59, %while3A_60 : i32
        %while3A_62 = arith.constant 1 : i32
        %while3A_63 = arith.divsi %while3A_60, %while3A_62 : i32
        %while3A_64 = arith.muli %while3A_63, %while3A_62 : i32
        %while3A_65 = arith.addi %while3A_59, %while3A_64 : i32
        %while3A_66 = arith.constant 1 : i32
        scf.for %while3A_68 = %while3A_59 to %while3A_65 step %while3A_66  : i32 {
          %get3A_69 = arith.index_cast %while3A_68 : i32 to index
          %get3A_70 = tpu.vector_load %arg24[%get3A_69] {strides = array<i32>} : memref<48xf32, #tpu.memory_space<vmem>>, vector<16xf32>,
          %slice3A_71 = vector.extract_strided_slice %get3A_70 {offsets = [0], sizes = [1], strides = [1]} : vector<16xf32> to vector<1xf32>
          %squeeze3A_72 = vector.extract %slice3A_71[0] : f32 from vector<1xf32>
          %get3A_73 = arith.index_cast %while3A_68 : i32 to index
          %get3A_74 = tpu.vector_load %arg25[%get3A_73] {strides = array<i32>} : memref<48xf32, #tpu.memory_space<vmem>>, vector<16xf32>,
          %slice3A_75 = vector.extract_strided_slice %get3A_74 {offsets = [0], sizes = [1], strides = [1]} : vector<16xf32> to vector<1xf32>
          %squeeze3A_76 = vector.extract %slice3A_75[0] : f32 from vector<1xf32>
          %get3A_77 = arith.index_cast %while3A_68 : i32 to index
          %get3A_78 = tpu.vector_load %arg26[%get3A_77] {strides = array<i32>} : memref<48xf32, #tpu.memory_space<vmem>>, vector<16xf32>,
          %slice3A_79 = vector.extract_strided_slice %get3A_78 {offsets = [0], sizes = [1], strides = [1]} : vector<16xf32> to vector<1xf32>
          %squeeze3A_80 = vector.extract %slice3A_79[0] : f32 from vector<1xf32>
          %get3A_81 = arith.index_cast %while3A_68 : i32 to index
          %get3A_82 = tpu.vector_load %arg27[%get3A_81] {strides = array<i32>} : memref<48xf32, #tpu.memory_space<vmem>>, vector<16xf32>,
          %slice3A_83 = vector.extract_strided_slice %get3A_82 {offsets = [0], sizes = [1], strides = [1]} : vector<16xf32> to vector<1xf32>
          %squeeze3A_84 = vector.extract %slice3A_83[0] : f32 from vector<1xf32>
          %get3A_85 = arith.index_cast %while3A_68 : i32 to index
          %get3A_86 = tpu.vector_load %arg28[%get3A_85] {strides = array<i32>} : memref<48xf32, #tpu.memory_space<vmem>>, vector<16xf32>,
          %slice3A_87 = vector.extract_strided_slice %get3A_86 {offsets = [0], sizes = [1], strides = [1]} : vector<16xf32> to vector<1xf32>
          %squeeze3A_88 = vector.extract %slice3A_87[0] : f32 from vector<1xf32>
          %get3A_89 = arith.index_cast %while3A_68 : i32 to index
          %get3A_90 = tpu.vector_load %arg29[%get3A_89] {strides = array<i32>} : memref<48xi32, #tpu.memory_space<vmem>>, vector<16xi32>,
          %slice3A_91 = vector.extract_strided_slice %get3A_90 {offsets = [0], sizes = [1], strides = [1]} : vector<16xi32> to vector<1xi32>
          %squeeze3A_92 = vector.extract %slice3A_91[0] : i32 from vector<1xi32>
          %add3A_93 = arith.constant 1 : i32
          %add3A_94 = arith.addi %while3A_68, %add3A_93 : i32
          %while3A_95 = arith.constant 0 : i32
          %while3A_96 = arith.subi %scan3A_57, %add3A_94 : i32
          %while3A_97 = arith.addi %add3A_94, %while3A_96 : i32
          %while3A_98 = arith.constant 1 : i32
          %while3A_99 = arith.divsi %while3A_96, %while3A_98 : i32
          %while3A_100 = arith.muli %while3A_99, %while3A_98 : i32
          %while3A_101 = arith.addi %add3A_94, %while3A_100 : i32
          %while3A_102 = arith.constant 1 : i32
          scf.for %while3A_104 = %add3A_94 to %while3A_101 step %while3A_102  : i32 {
            %get3A_105 = arith.index_cast %while3A_104 : i32 to index
            %get3A_106 = tpu.vector_load %arg24[%get3A_105] {strides = array<i32>} : memref<48xf32, #tpu.memory_space<vmem>>, vector<16xf32>,
            %slice3A_107 = vector.extract_strided_slice %get3A_106 {offsets = [0], sizes = [1], strides = [1]} : vector<16xf32> to vector<1xf32>
            %squeeze3A_108 = vector.extract %slice3A_107[0] : f32 from vector<1xf32>
            %get3A_109 = arith.index_cast %while3A_104 : i32 to index
            %get3A_110 = tpu.vector_load %arg26[%get3A_109] {strides = array<i32>} : memref<48xf32, #tpu.memory_space<vmem>>, vector<16xf32>,
            %slice3A_111 = vector.extract_strided_slice %get3A_110 {offsets = [0], sizes = [1], strides = [1]} : vector<16xf32> to vector<1xf32>
            %squeeze3A_112 = vector.extract %slice3A_111[0] : f32 from vector<1xf32>
            %mul3A_113 = arith.mulf %squeeze3A_80, %squeeze3A_112 : f32
            %get3A_114 = arith.index_cast %while3A_104 : i32 to index
            %get3A_115 = tpu.vector_load %arg27[%get3A_114] {strides = array<i32>} : memref<48xf32, #tpu.memory_space<vmem>>, vector<16xf32>,
            %slice3A_116 = vector.extract_strided_slice %get3A_115 {offsets = [0], sizes = [1], strides = [1]} : vector<16xf32> to vector<1xf32>
            %squeeze3A_117 = vector.extract %slice3A_116[0] : f32 from vector<1xf32>
            %mul3A_118 = arith.mulf %squeeze3A_84, %squeeze3A_117 : f32
            %add3A_119 = arith.addf %mul3A_113, %mul3A_118 : f32
            %get3A_120 = arith.index_cast %while3A_104 : i32 to index
            %get3A_121 = tpu.vector_load %arg28[%get3A_120] {strides = array<i32>} : memref<48xf32, #tpu.memory_space<vmem>>, vector<16xf32>,
            %slice3A_122 = vector.extract_strided_slice %get3A_121 {offsets = [0], sizes = [1], strides = [1]} : vector<16xf32> to vector<1xf32>
            %squeeze3A_123 = vector.extract %slice3A_122[0] : f32 from vector<1xf32>
            %mul3A_124 = arith.mulf %squeeze3A_88, %squeeze3A_123 : f32
            %add3A_125 = arith.addf %add3A_119, %mul3A_124 : f32
            %get3A_126 = arith.index_cast %while3A_104 : i32 to index
            %get3A_127 = tpu.vector_load %arg29[%get3A_126] {strides = array<i32>} : memref<48xi32, #tpu.memory_space<vmem>>, vector<16xi32>,
            %slice3A_128 = vector.extract_strided_slice %get3A_127 {offsets = [0], sizes = [1], strides = [1]} : vector<16xi32> to vector<1xi32>
            %squeeze3A_129 = vector.extract %slice3A_128[0] : i32 from vector<1xi32>
            %mul3A_130 = arith.mulf %squeeze3A_72, %squeeze3A_108 : f32
            %max3A = arith.constant 9.99999993E-9 : f32
            %max3A_131 = arith.maximumf %mul3A_130, %max3A : f32
            %broadcast_in_dim3A_132 = vector.broadcast %max3A_131 : f32 to vector<16xf32>
            %mul3A_133 = arith.constant 0.949999988 : f32
            %mul3A_134 = arith.mulf %mul3A_133, %add3A_125 : f32
            %broadcast_in_dim3A_135 = vector.broadcast %mul3A_134 : f32 to vector<16xf32>
            %div3A = arith.divf %broadcast_in_dim3A_135, %broadcast_in_dim3A_132 : vector<16xf32>
            %mul3A_136 = arith.mulf %div3A, %div3A : vector<16xf32>
            %sub3A = arith.constant 1.000000e+00 : f32
            %sub3A_137 = vector.broadcast %sub3A : f32 to vector<16xf32>
            %sub3A_138 = arith.subf %sub3A_137, %mul3A_136 : vector<16xf32>
            %max3A_139 = arith.constant 9.99999968E-21 : f32
            %max3A_140 = vector.broadcast %max3A_139 : f32 to vector<16xf32>
            %max3A_141 = arith.maximumf %sub3A_138, %max3A_140 : vector<16xf32>
            %bitcast3A = vector.bitcast %max3A_141 : vector<16xf32> to vector<16xi32>
            %shift_right_arithmetic3A = arith.constant 1 : i32
            %shift_right_arithmetic3A_142 = vector.broadcast %shift_right_arithmetic3A : i32 to vector<16xi32>
            %shift_right_arithmetic3A_143 = arith.shrsi %bitcast3A, %shift_right_arithmetic3A_142 : vector<16xi32>
            %sub3A_144 = arith.constant 1597463007 : i32
            %sub3A_145 = vector.broadcast %sub3A_144 : i32 to vector<16xi32>
            %sub3A_146 = arith.subi %sub3A_145, %shift_right_arithmetic3A_143 : vector<16xi32>
            %bitcast3A_147 = vector.bitcast %sub3A_146 : vector<16xi32> to vector<16xf32>
            %mul3A_148 = arith.constant 5.000000e-01 : f32
            %mul3A_149 = vector.broadcast %mul3A_148 : f32 to vector<16xf32>
            %mul3A_150 = arith.mulf %mul3A_149, %max3A_141 : vector<16xf32>
            %mul3A_151 = arith.mulf %mul3A_150, %bitcast3A_147 : vector<16xf32>
            %mul3A_152 = arith.mulf %mul3A_151, %bitcast3A_147 : vector<16xf32>
            %sub3A_153 = arith.constant 1.500000e+00 : f32
            %sub3A_154 = vector.broadcast %sub3A_153 : f32 to vector<16xf32>
            %sub3A_155 = arith.subf %sub3A_154, %mul3A_152 : vector<16xf32>
            %mul3A_156 = arith.mulf %bitcast3A_147, %sub3A_155 : vector<16xf32>
            %mul3A_157 = arith.constant 5.000000e-01 : f32
            %mul3A_158 = vector.broadcast %mul3A_157 : f32 to vector<16xf32>
            %mul3A_159 = arith.mulf %mul3A_158, %max3A_141 : vector<16xf32>
            %mul3A_160 = arith.mulf %mul3A_159, %mul3A_156 : vector<16xf32>
            %mul3A_161 = arith.mulf %mul3A_160, %mul3A_156 : vector<16xf32>
            %sub3A_162 = arith.constant 1.500000e+00 : f32
            %sub3A_163 = vector.broadcast %sub3A_162 : f32 to vector<16xf32>
            %sub3A_164 = arith.subf %sub3A_163, %mul3A_161 : vector<16xf32>
            %mul3A_165 = arith.mulf %mul3A_156, %sub3A_164 : vector<16xf32>
            %mul3A_166 = arith.constant 5.000000e-01 : f32
            %mul3A_167 = vector.broadcast %mul3A_166 : f32 to vector<16xf32>
            %mul3A_168 = arith.mulf %mul3A_167, %max3A_141 : vector<16xf32>
            %mul3A_169 = arith.mulf %mul3A_168, %mul3A_165 : vector<16xf32>
            %mul3A_170 = arith.mulf %mul3A_169, %mul3A_165 : vector<16xf32>
            %sub3A_171 = arith.constant 1.500000e+00 : f32
            %sub3A_172 = vector.broadcast %sub3A_171 : f32 to vector<16xf32>
            %sub3A_173 = arith.subf %sub3A_172, %mul3A_170 : vector<16xf32>
            %mul3A_174 = arith.mulf %mul3A_165, %sub3A_173 : vector<16xf32>
            %mul3A_175 = arith.mulf %max3A_141, %mul3A_174 : vector<16xf32>
            %add3A_176 = arith.addf %squeeze3A_72, %squeeze3A_108 : f32
            %mul3A_177 = arith.constant 5.000000e-01 : f32
            %mul3A_178 = arith.mulf %mul3A_177, %add3A_176 : f32
            %broadcast_in_dim3A_179 = vector.broadcast %mul3A_178 : f32 to vector<16xf32>
            %mul3A_180 = arith.constant 2.000000e+00 : f32
            %mul3A_181 = arith.mulf %mul3A_180, %squeeze3A_76 : f32
            %get3A_182 = arith.index_cast %while3A_104 : i32 to index
            %get3A_183 = tpu.vector_load %arg25[%get3A_182] {strides = array<i32>} : memref<48xf32, #tpu.memory_space<vmem>>, vector<16xf32>,
            %slice3A_184 = vector.extract_strided_slice %get3A_183 {offsets = [0], sizes = [1], strides = [1]} : vector<16xf32> to vector<1xf32>
            %squeeze3A_185 = vector.extract %slice3A_184[0] : f32 from vector<1xf32>
            %mul3A_186 = arith.mulf %mul3A_181, %squeeze3A_185 : f32
            %min3A = arith.minsi %squeeze3A_92, %squeeze3A_129 : i32
            %max3A_187 = arith.maxsi %squeeze3A_92, %squeeze3A_129 : i32
            %mul3A_188 = arith.constant 4 : i32
            %mul3A_189 = arith.muli %min3A, %mul3A_188 : i32
            %add3A_190 = arith.addi %mul3A_189, %max3A_187 : i32
            %add3A_191 = arith.constant 1 : i32
            %add3A_192 = arith.addi %min3A, %add3A_191 : i32
            %mul3A_193 = arith.muli %min3A, %add3A_192 : i32
            %shift_right_arithmetic3A_194 = arith.constant 1 : i32
            %shift_right_arithmetic3A_195 = arith.shrsi %mul3A_193, %shift_right_arithmetic3A_194 : i32
            %sub3A_196 = arith.subi %add3A_190, %shift_right_arithmetic3A_195 : i32
            %mul3A_197 = arith.constant 32 : i32
            %mul3A_198 = arith.muli %sub3A_196, %mul3A_197 : i32
            %get3A_199 = arith.constant 0 : index
            %get3A_200 = tpu.vector_load %arg17[%get3A_199] {strides = array<i32>} : memref<32xf32, #tpu.memory_space<vmem>>, vector<16xf32>,
            %mul3A_201 = arith.mulf %div3A, %get3A_200 : vector<16xf32>
            %get3A_202 = arith.constant 0 : index
            %get3A_203 = tpu.vector_load %arg18[%get3A_202] {strides = array<i32>} : memref<32xf32, #tpu.memory_space<vmem>>, vector<16xf32>,
            %mul3A_204 = arith.mulf %mul3A_175, %get3A_203 : vector<16xf32>
            %add3A_205 = arith.addf %mul3A_201, %mul3A_204 : vector<16xf32>
            %mul3A_206 = arith.constant 5.000000e-01 : f32
            %mul3A_207 = vector.broadcast %mul3A_206 : f32 to vector<16xf32>
            %mul3A_208 = arith.mulf %mul3A_207, %add3A_205 : vector<16xf32>
            %add3A_209 = arith.constant 5.000000e-01 : f32
            %add3A_210 = vector.broadcast %add3A_209 : f32 to vector<16xf32>
            %add3A_211 = arith.addf %add3A_210, %mul3A_208 : vector<16xf32>
            %mul3A_212 = arith.mulf %add3A_211, %add3A_211 : vector<16xf32>
            %mul3A_213 = arith.mulf %mul3A_212, %mul3A_212 : vector<16xf32>
            %mul3A_214 = arith.mulf %mul3A_213, %mul3A_213 : vector<16xf32>
            %mul3A_215 = arith.mulf %mul3A_214, %mul3A_214 : vector<16xf32>
            %mul3A_216 = arith.mulf %mul3A_215, %mul3A_215 : vector<16xf32>
            %get3A_217 = arith.constant 0 : index
            %get3A_218 = tpu.vector_load %arg19[%get3A_217] {strides = array<i32>} : memref<32xf32, #tpu.memory_space<vmem>>, vector<16xf32>,
            %sub3A_219 = arith.subf %broadcast_in_dim3A_179, %get3A_218 : vector<16xf32>
            %mul3A_220 = vector.broadcast %mul3A_186 : f32 to vector<16xf32>
            %mul3A_221 = arith.mulf %mul3A_216, %mul3A_220 : vector<16xf32>
            %mul3A_222 = arith.mulf %sub3A_219, %sub3A_219 : vector<16xf32>
            %mul3A_223 = arith.constant -8.000000e+00 : f32
            %mul3A_224 = vector.broadcast %mul3A_223 : f32 to vector<16xf32>
            %mul3A_225 = arith.mulf %mul3A_222, %mul3A_224 : vector<16xf32>
            %exp3A = math.exp %mul3A_225 : vector<16xf32>
            %mul3A_226 = arith.mulf %mul3A_221, %exp3A : vector<16xf32>
            %add3A_227 = arith.constant 0 : i32
            %add3A_228 = arith.addi %mul3A_198, %add3A_227 : i32
            %get3A_229 = arith.index_cast %scan3A_37 : i32 to index
            %get3A_230 = arith.index_cast %add3A_228 : i32 to index
            %get3A_231 = tpu.vector_load %arg21[%get3A_229, %get3A_230] {strides = array<i32>} : memref<128x320xf32, #tpu.memory_space<vmem>>, vector<16xf32>,
            %add3A_232 = arith.addf %get3A_231, %mul3A_226 : vector<16xf32>
            %swap3A = arith.index_cast %scan3A_37 : i32 to index
            %swap3A_233 = arith.index_cast %add3A_228 : i32 to index
            %swap3A_234 = tpu.vector_load %arg21[%swap3A, %swap3A_233] {strides = array<i32>} : memref<128x320xf32, #tpu.memory_space<vmem>>, vector<16xf32>,
            tpu.vector_store %arg21[%swap3A, %swap3A_233], %add3A_232 {strides = array<i32>} : memref<128x320xf32, #tpu.memory_space<vmem>>, vector<16xf32>,
            %get3A_235 = arith.constant 16 : index
            %get3A_236 = tpu.vector_load %arg17[%get3A_235] {strides = array<i32>} : memref<32xf32, #tpu.memory_space<vmem>>, vector<16xf32>,
            %mul3A_237 = arith.mulf %div3A, %get3A_236 : vector<16xf32>
            %get3A_238 = arith.constant 16 : index
            %get3A_239 = tpu.vector_load %arg18[%get3A_238] {strides = array<i32>} : memref<32xf32, #tpu.memory_space<vmem>>, vector<16xf32>,
            %mul3A_240 = arith.mulf %mul3A_175, %get3A_239 : vector<16xf32>
            %add3A_241 = arith.addf %mul3A_237, %mul3A_240 : vector<16xf32>
            %mul3A_242 = arith.constant 5.000000e-01 : f32
            %mul3A_243 = vector.broadcast %mul3A_242 : f32 to vector<16xf32>
            %mul3A_244 = arith.mulf %mul3A_243, %add3A_241 : vector<16xf32>
            %add3A_245 = arith.constant 5.000000e-01 : f32
            %add3A_246 = vector.broadcast %add3A_245 : f32 to vector<16xf32>
            %add3A_247 = arith.addf %add3A_246, %mul3A_244 : vector<16xf32>
            %mul3A_248 = arith.mulf %add3A_247, %add3A_247 : vector<16xf32>
            %mul3A_249 = arith.mulf %mul3A_248, %mul3A_248 : vector<16xf32>
            %mul3A_250 = arith.mulf %mul3A_249, %mul3A_249 : vector<16xf32>
            %mul3A_251 = arith.mulf %mul3A_250, %mul3A_250 : vector<16xf32>
            %mul3A_252 = arith.mulf %mul3A_251, %mul3A_251 : vector<16xf32>
            %get3A_253 = arith.constant 16 : index
            %get3A_254 = tpu.vector_load %arg19[%get3A_253] {strides = array<i32>} : memref<32xf32, #tpu.memory_space<vmem>>, vector<16xf32>,
            %sub3A_255 = arith.subf %broadcast_in_dim3A_179, %get3A_254 : vector<16xf32>
            %mul3A_256 = vector.broadcast %mul3A_186 : f32 to vector<16xf32>
            %mul3A_257 = arith.mulf %mul3A_252, %mul3A_256 : vector<16xf32>
            %mul3A_258 = arith.mulf %sub3A_255, %sub3A_255 : vector<16xf32>
            %mul3A_259 = arith.constant -8.000000e+00 : f32
            %mul3A_260 = vector.broadcast %mul3A_259 : f32 to vector<16xf32>
            %mul3A_261 = arith.mulf %mul3A_258, %mul3A_260 : vector<16xf32>
            %exp3A_262 = math.exp %mul3A_261 : vector<16xf32>
            %mul3A_263 = arith.mulf %mul3A_257, %exp3A_262 : vector<16xf32>
            %add3A_264 = arith.constant 16 : i32
            %add3A_265 = arith.addi %mul3A_198, %add3A_264 : i32
            %get3A_266 = arith.index_cast %scan3A_37 : i32 to index
            %get3A_267 = arith.index_cast %add3A_265 : i32 to index
            %get3A_268 = tpu.vector_load %arg21[%get3A_266, %get3A_267] {strides = array<i32>} : memref<128x320xf32, #tpu.memory_space<vmem>>, vector<16xf32>,
            %add3A_269 = arith.addf %get3A_268, %mul3A_263 : vector<16xf32>
            %swap3A_270 = arith.index_cast %scan3A_37 : i32 to index
            %swap3A_271 = arith.index_cast %add3A_265 : i32 to index
            %swap3A_272 = tpu.vector_load %arg21[%swap3A_270, %swap3A_271] {strides = array<i32>} : memref<128x320xf32, #tpu.memory_space<vmem>>, vector<16xf32>,
            tpu.vector_store %arg21[%swap3A_270, %swap3A_271], %add3A_269 {strides = array<i32>} : memref<128x320xf32, #tpu.memory_space<vmem>>, vector<16xf32>,
          }
          %while3A_103 = arith.constant 1 : i32
          scf.for %while3A_104 = %while3A_101 to %while3A_97 step %while3A_103  : i32 {
            %get3A_105 = arith.index_cast %while3A_104 : i32 to index
            %get3A_106 = tpu.vector_load %arg24[%get3A_105] {strides = array<i32>} : memref<48xf32, #tpu.memory_space<vmem>>, vector<16xf32>,
            %slice3A_107 = vector.extract_strided_slice %get3A_106 {offsets = [0], sizes = [1], strides = [1]} : vector<16xf32> to vector<1xf32>
            %squeeze3A_108 = vector.extract %slice3A_107[0] : f32 from vector<1xf32>
            %get3A_109 = arith.index_cast %while3A_104 : i32 to index
            %get3A_110 = tpu.vector_load %arg26[%get3A_109] {strides = array<i32>} : memref<48xf32, #tpu.memory_space<vmem>>, vector<16xf32>,
            %slice3A_111 = vector.extract_strided_slice %get3A_110 {offsets = [0], sizes = [1], strides = [1]} : vector<16xf32> to vector<1xf32>
            %squeeze3A_112 = vector.extract %slice3A_111[0] : f32 from vector<1xf32>
            %mul3A_113 = arith.mulf %squeeze3A_80, %squeeze3A_112 : f32
            %get3A_114 = arith.index_cast %while3A_104 : i32 to index
            %get3A_115 = tpu.vector_load %arg27[%get3A_114] {strides = array<i32>} : memref<48xf32, #tpu.memory_space<vmem>>, vector<16xf32>,
            %slice3A_116 = vector.extract_strided_slice %get3A_115 {offsets = [0], sizes = [1], strides = [1]} : vector<16xf32> to vector<1xf32>
            %squeeze3A_117 = vector.extract %slice3A_116[0] : f32 from vector<1xf32>
            %mul3A_118 = arith.mulf %squeeze3A_84, %squeeze3A_117 : f32
            %add3A_119 = arith.addf %mul3A_113, %mul3A_118 : f32
            %get3A_120 = arith.index_cast %while3A_104 : i32 to index
            %get3A_121 = tpu.vector_load %arg28[%get3A_120] {strides = array<i32>} : memref<48xf32, #tpu.memory_space<vmem>>, vector<16xf32>,
            %slice3A_122 = vector.extract_strided_slice %get3A_121 {offsets = [0], sizes = [1], strides = [1]} : vector<16xf32> to vector<1xf32>
            %squeeze3A_123 = vector.extract %slice3A_122[0] : f32 from vector<1xf32>
            %mul3A_124 = arith.mulf %squeeze3A_88, %squeeze3A_123 : f32
            %add3A_125 = arith.addf %add3A_119, %mul3A_124 : f32
            %get3A_126 = arith.index_cast %while3A_104 : i32 to index
            %get3A_127 = tpu.vector_load %arg29[%get3A_126] {strides = array<i32>} : memref<48xi32, #tpu.memory_space<vmem>>, vector<16xi32>,
            %slice3A_128 = vector.extract_strided_slice %get3A_127 {offsets = [0], sizes = [1], strides = [1]} : vector<16xi32> to vector<1xi32>
            %squeeze3A_129 = vector.extract %slice3A_128[0] : i32 from vector<1xi32>
            %mul3A_130 = arith.mulf %squeeze3A_72, %squeeze3A_108 : f32
            %max3A = arith.constant 9.99999993E-9 : f32
            %max3A_131 = arith.maximumf %mul3A_130, %max3A : f32
            %broadcast_in_dim3A_132 = vector.broadcast %max3A_131 : f32 to vector<16xf32>
            %mul3A_133 = arith.constant 0.949999988 : f32
            %mul3A_134 = arith.mulf %mul3A_133, %add3A_125 : f32
            %broadcast_in_dim3A_135 = vector.broadcast %mul3A_134 : f32 to vector<16xf32>
            %div3A = arith.divf %broadcast_in_dim3A_135, %broadcast_in_dim3A_132 : vector<16xf32>
            %mul3A_136 = arith.mulf %div3A, %div3A : vector<16xf32>
            %sub3A = arith.constant 1.000000e+00 : f32
            %sub3A_137 = vector.broadcast %sub3A : f32 to vector<16xf32>
            %sub3A_138 = arith.subf %sub3A_137, %mul3A_136 : vector<16xf32>
            %max3A_139 = arith.constant 9.99999968E-21 : f32
            %max3A_140 = vector.broadcast %max3A_139 : f32 to vector<16xf32>
            %max3A_141 = arith.maximumf %sub3A_138, %max3A_140 : vector<16xf32>
            %bitcast3A = vector.bitcast %max3A_141 : vector<16xf32> to vector<16xi32>
            %shift_right_arithmetic3A = arith.constant 1 : i32
            %shift_right_arithmetic3A_142 = vector.broadcast %shift_right_arithmetic3A : i32 to vector<16xi32>
            %shift_right_arithmetic3A_143 = arith.shrsi %bitcast3A, %shift_right_arithmetic3A_142 : vector<16xi32>
            %sub3A_144 = arith.constant 1597463007 : i32
            %sub3A_145 = vector.broadcast %sub3A_144 : i32 to vector<16xi32>
            %sub3A_146 = arith.subi %sub3A_145, %shift_right_arithmetic3A_143 : vector<16xi32>
            %bitcast3A_147 = vector.bitcast %sub3A_146 : vector<16xi32> to vector<16xf32>
            %mul3A_148 = arith.constant 5.000000e-01 : f32
            %mul3A_149 = vector.broadcast %mul3A_148 : f32 to vector<16xf32>
            %mul3A_150 = arith.mulf %mul3A_149, %max3A_141 : vector<16xf32>
            %mul3A_151 = arith.mulf %mul3A_150, %bitcast3A_147 : vector<16xf32>
            %mul3A_152 = arith.mulf %mul3A_151, %bitcast3A_147 : vector<16xf32>
            %sub3A_153 = arith.constant 1.500000e+00 : f32
            %sub3A_154 = vector.broadcast %sub3A_153 : f32 to vector<16xf32>
            %sub3A_155 = arith.subf %sub3A_154, %mul3A_152 : vector<16xf32>
            %mul3A_156 = arith.mulf %bitcast3A_147, %sub3A_155 : vector<16xf32>
            %mul3A_157 = arith.constant 5.000000e-01 : f32
            %mul3A_158 = vector.broadcast %mul3A_157 : f32 to vector<16xf32>
            %mul3A_159 = arith.mulf %mul3A_158, %max3A_141 : vector<16xf32>
            %mul3A_160 = arith.mulf %mul3A_159, %mul3A_156 : vector<16xf32>
            %mul3A_161 = arith.mulf %mul3A_160, %mul3A_156 : vector<16xf32>
            %sub3A_162 = arith.constant 1.500000e+00 : f32
            %sub3A_163 = vector.broadcast %sub3A_162 : f32 to vector<16xf32>
            %sub3A_164 = arith.subf %sub3A_163, %mul3A_161 : vector<16xf32>
            %mul3A_165 = arith.mulf %mul3A_156, %sub3A_164 : vector<16xf32>
            %mul3A_166 = arith.constant 5.000000e-01 : f32
            %mul3A_167 = vector.broadcast %mul3A_166 : f32 to vector<16xf32>
            %mul3A_168 = arith.mulf %mul3A_167, %max3A_141 : vector<16xf32>
            %mul3A_169 = arith.mulf %mul3A_168, %mul3A_165 : vector<16xf32>
            %mul3A_170 = arith.mulf %mul3A_169, %mul3A_165 : vector<16xf32>
            %sub3A_171 = arith.constant 1.500000e+00 : f32
            %sub3A_172 = vector.broadcast %sub3A_171 : f32 to vector<16xf32>
            %sub3A_173 = arith.subf %sub3A_172, %mul3A_170 : vector<16xf32>
            %mul3A_174 = arith.mulf %mul3A_165, %sub3A_173 : vector<16xf32>
            %mul3A_175 = arith.mulf %max3A_141, %mul3A_174 : vector<16xf32>
            %add3A_176 = arith.addf %squeeze3A_72, %squeeze3A_108 : f32
            %mul3A_177 = arith.constant 5.000000e-01 : f32
            %mul3A_178 = arith.mulf %mul3A_177, %add3A_176 : f32
            %broadcast_in_dim3A_179 = vector.broadcast %mul3A_178 : f32 to vector<16xf32>
            %mul3A_180 = arith.constant 2.000000e+00 : f32
            %mul3A_181 = arith.mulf %mul3A_180, %squeeze3A_76 : f32
            %get3A_182 = arith.index_cast %while3A_104 : i32 to index
            %get3A_183 = tpu.vector_load %arg25[%get3A_182] {strides = array<i32>} : memref<48xf32, #tpu.memory_space<vmem>>, vector<16xf32>,
            %slice3A_184 = vector.extract_strided_slice %get3A_183 {offsets = [0], sizes = [1], strides = [1]} : vector<16xf32> to vector<1xf32>
            %squeeze3A_185 = vector.extract %slice3A_184[0] : f32 from vector<1xf32>
            %mul3A_186 = arith.mulf %mul3A_181, %squeeze3A_185 : f32
            %min3A = arith.minsi %squeeze3A_92, %squeeze3A_129 : i32
            %max3A_187 = arith.maxsi %squeeze3A_92, %squeeze3A_129 : i32
            %mul3A_188 = arith.constant 4 : i32
            %mul3A_189 = arith.muli %min3A, %mul3A_188 : i32
            %add3A_190 = arith.addi %mul3A_189, %max3A_187 : i32
            %add3A_191 = arith.constant 1 : i32
            %add3A_192 = arith.addi %min3A, %add3A_191 : i32
            %mul3A_193 = arith.muli %min3A, %add3A_192 : i32
            %shift_right_arithmetic3A_194 = arith.constant 1 : i32
            %shift_right_arithmetic3A_195 = arith.shrsi %mul3A_193, %shift_right_arithmetic3A_194 : i32
            %sub3A_196 = arith.subi %add3A_190, %shift_right_arithmetic3A_195 : i32
            %mul3A_197 = arith.constant 32 : i32
            %mul3A_198 = arith.muli %sub3A_196, %mul3A_197 : i32
            %get3A_199 = arith.constant 0 : index
            %get3A_200 = tpu.vector_load %arg17[%get3A_199] {strides = array<i32>} : memref<32xf32, #tpu.memory_space<vmem>>, vector<16xf32>,
            %mul3A_201 = arith.mulf %div3A, %get3A_200 : vector<16xf32>
            %get3A_202 = arith.constant 0 : index
            %get3A_203 = tpu.vector_load %arg18[%get3A_202] {strides = array<i32>} : memref<32xf32, #tpu.memory_space<vmem>>, vector<16xf32>,
            %mul3A_204 = arith.mulf %mul3A_175, %get3A_203 : vector<16xf32>
            %add3A_205 = arith.addf %mul3A_201, %mul3A_204 : vector<16xf32>
            %mul3A_206 = arith.constant 5.000000e-01 : f32
            %mul3A_207 = vector.broadcast %mul3A_206 : f32 to vector<16xf32>
            %mul3A_208 = arith.mulf %mul3A_207, %add3A_205 : vector<16xf32>
            %add3A_209 = arith.constant 5.000000e-01 : f32
            %add3A_210 = vector.broadcast %add3A_209 : f32 to vector<16xf32>
            %add3A_211 = arith.addf %add3A_210, %mul3A_208 : vector<16xf32>
            %mul3A_212 = arith.mulf %add3A_211, %add3A_211 : vector<16xf32>
            %mul3A_213 = arith.mulf %mul3A_212, %mul3A_212 : vector<16xf32>
            %mul3A_214 = arith.mulf %mul3A_213, %mul3A_213 : vector<16xf32>
            %mul3A_215 = arith.mulf %mul3A_214, %mul3A_214 : vector<16xf32>
            %mul3A_216 = arith.mulf %mul3A_215, %mul3A_215 : vector<16xf32>
            %get3A_217 = arith.constant 0 : index
            %get3A_218 = tpu.vector_load %arg19[%get3A_217] {strides = array<i32>} : memref<32xf32, #tpu.memory_space<vmem>>, vector<16xf32>,
            %sub3A_219 = arith.subf %broadcast_in_dim3A_179, %get3A_218 : vector<16xf32>
            %mul3A_220 = vector.broadcast %mul3A_186 : f32 to vector<16xf32>
            %mul3A_221 = arith.mulf %mul3A_216, %mul3A_220 : vector<16xf32>
            %mul3A_222 = arith.mulf %sub3A_219, %sub3A_219 : vector<16xf32>
            %mul3A_223 = arith.constant -8.000000e+00 : f32
            %mul3A_224 = vector.broadcast %mul3A_223 : f32 to vector<16xf32>
            %mul3A_225 = arith.mulf %mul3A_222, %mul3A_224 : vector<16xf32>
            %exp3A = math.exp %mul3A_225 : vector<16xf32>
            %mul3A_226 = arith.mulf %mul3A_221, %exp3A : vector<16xf32>
            %add3A_227 = arith.constant 0 : i32
            %add3A_228 = arith.addi %mul3A_198, %add3A_227 : i32
            %get3A_229 = arith.index_cast %scan3A_37 : i32 to index
            %get3A_230 = arith.index_cast %add3A_228 : i32 to index
            %get3A_231 = tpu.vector_load %arg21[%get3A_229, %get3A_230] {strides = array<i32>} : memref<128x320xf32, #tpu.memory_space<vmem>>, vector<16xf32>,
            %add3A_232 = arith.addf %get3A_231, %mul3A_226 : vector<16xf32>
            %swap3A = arith.index_cast %scan3A_37 : i32 to index
            %swap3A_233 = arith.index_cast %add3A_228 : i32 to index
            %swap3A_234 = tpu.vector_load %arg21[%swap3A, %swap3A_233] {strides = array<i32>} : memref<128x320xf32, #tpu.memory_space<vmem>>, vector<16xf32>,
            tpu.vector_store %arg21[%swap3A, %swap3A_233], %add3A_232 {strides = array<i32>} : memref<128x320xf32, #tpu.memory_space<vmem>>, vector<16xf32>,
            %get3A_235 = arith.constant 16 : index
            %get3A_236 = tpu.vector_load %arg17[%get3A_235] {strides = array<i32>} : memref<32xf32, #tpu.memory_space<vmem>>, vector<16xf32>,
            %mul3A_237 = arith.mulf %div3A, %get3A_236 : vector<16xf32>
            %get3A_238 = arith.constant 16 : index
            %get3A_239 = tpu.vector_load %arg18[%get3A_238] {strides = array<i32>} : memref<32xf32, #tpu.memory_space<vmem>>, vector<16xf32>,
            %mul3A_240 = arith.mulf %mul3A_175, %get3A_239 : vector<16xf32>
            %add3A_241 = arith.addf %mul3A_237, %mul3A_240 : vector<16xf32>
            %mul3A_242 = arith.constant 5.000000e-01 : f32
            %mul3A_243 = vector.broadcast %mul3A_242 : f32 to vector<16xf32>
            %mul3A_244 = arith.mulf %mul3A_243, %add3A_241 : vector<16xf32>
            %add3A_245 = arith.constant 5.000000e-01 : f32
            %add3A_246 = vector.broadcast %add3A_245 : f32 to vector<16xf32>
            %add3A_247 = arith.addf %add3A_246, %mul3A_244 : vector<16xf32>
            %mul3A_248 = arith.mulf %add3A_247, %add3A_247 : vector<16xf32>
            %mul3A_249 = arith.mulf %mul3A_248, %mul3A_248 : vector<16xf32>
            %mul3A_250 = arith.mulf %mul3A_249, %mul3A_249 : vector<16xf32>
            %mul3A_251 = arith.mulf %mul3A_250, %mul3A_250 : vector<16xf32>
            %mul3A_252 = arith.mulf %mul3A_251, %mul3A_251 : vector<16xf32>
            %get3A_253 = arith.constant 16 : index
            %get3A_254 = tpu.vector_load %arg19[%get3A_253] {strides = array<i32>} : memref<32xf32, #tpu.memory_space<vmem>>, vector<16xf32>,
            %sub3A_255 = arith.subf %broadcast_in_dim3A_179, %get3A_254 : vector<16xf32>
            %mul3A_256 = vector.broadcast %mul3A_186 : f32 to vector<16xf32>
            %mul3A_257 = arith.mulf %mul3A_252, %mul3A_256 : vector<16xf32>
            %mul3A_258 = arith.mulf %sub3A_255, %sub3A_255 : vector<16xf32>
            %mul3A_259 = arith.constant -8.000000e+00 : f32
            %mul3A_260 = vector.broadcast %mul3A_259 : f32 to vector<16xf32>
            %mul3A_261 = arith.mulf %mul3A_258, %mul3A_260 : vector<16xf32>
            %exp3A_262 = math.exp %mul3A_261 : vector<16xf32>
            %mul3A_263 = arith.mulf %mul3A_257, %exp3A_262 : vector<16xf32>
            %add3A_264 = arith.constant 16 : i32
            %add3A_265 = arith.addi %mul3A_198, %add3A_264 : i32
            %get3A_266 = arith.index_cast %scan3A_37 : i32 to index
            %get3A_267 = arith.index_cast %add3A_265 : i32 to index
            %get3A_268 = tpu.vector_load %arg21[%get3A_266, %get3A_267] {strides = array<i32>} : memref<128x320xf32, #tpu.memory_space<vmem>>, vector<16xf32>,
            %add3A_269 = arith.addf %get3A_268, %mul3A_263 : vector<16xf32>
            %swap3A_270 = arith.index_cast %scan3A_37 : i32 to index
            %swap3A_271 = arith.index_cast %add3A_265 : i32 to index
            %swap3A_272 = tpu.vector_load %arg21[%swap3A_270, %swap3A_271] {strides = array<i32>} : memref<128x320xf32, #tpu.memory_space<vmem>>, vector<16xf32>,
            tpu.vector_store %arg21[%swap3A_270, %swap3A_271], %add3A_269 {strides = array<i32>} : memref<128x320xf32, #tpu.memory_space<vmem>>, vector<16xf32>,
          }
        }
        %while3A_67 = arith.constant 1 : i32
        scf.for %while3A_68 = %while3A_65 to %while3A_61 step %while3A_67  : i32 {
          %get3A_69 = arith.index_cast %while3A_68 : i32 to index
          %get3A_70 = tpu.vector_load %arg24[%get3A_69] {strides = array<i32>} : memref<48xf32, #tpu.memory_space<vmem>>, vector<16xf32>,
          %slice3A_71 = vector.extract_strided_slice %get3A_70 {offsets = [0], sizes = [1], strides = [1]} : vector<16xf32> to vector<1xf32>
          %squeeze3A_72 = vector.extract %slice3A_71[0] : f32 from vector<1xf32>
          %get3A_73 = arith.index_cast %while3A_68 : i32 to index
          %get3A_74 = tpu.vector_load %arg25[%get3A_73] {strides = array<i32>} : memref<48xf32, #tpu.memory_space<vmem>>, vector<16xf32>,
          %slice3A_75 = vector.extract_strided_slice %get3A_74 {offsets = [0], sizes = [1], strides = [1]} : vector<16xf32> to vector<1xf32>
          %squeeze3A_76 = vector.extract %slice3A_75[0] : f32 from vector<1xf32>
          %get3A_77 = arith.index_cast %while3A_68 : i32 to index
          %get3A_78 = tpu.vector_load %arg26[%get3A_77] {strides = array<i32>} : memref<48xf32, #tpu.memory_space<vmem>>, vector<16xf32>,
          %slice3A_79 = vector.extract_strided_slice %get3A_78 {offsets = [0], sizes = [1], strides = [1]} : vector<16xf32> to vector<1xf32>
          %squeeze3A_80 = vector.extract %slice3A_79[0] : f32 from vector<1xf32>
          %get3A_81 = arith.index_cast %while3A_68 : i32 to index
          %get3A_82 = tpu.vector_load %arg27[%get3A_81] {strides = array<i32>} : memref<48xf32, #tpu.memory_space<vmem>>, vector<16xf32>,
          %slice3A_83 = vector.extract_strided_slice %get3A_82 {offsets = [0], sizes = [1], strides = [1]} : vector<16xf32> to vector<1xf32>
          %squeeze3A_84 = vector.extract %slice3A_83[0] : f32 from vector<1xf32>
          %get3A_85 = arith.index_cast %while3A_68 : i32 to index
          %get3A_86 = tpu.vector_load %arg28[%get3A_85] {strides = array<i32>} : memref<48xf32, #tpu.memory_space<vmem>>, vector<16xf32>,
          %slice3A_87 = vector.extract_strided_slice %get3A_86 {offsets = [0], sizes = [1], strides = [1]} : vector<16xf32> to vector<1xf32>
          %squeeze3A_88 = vector.extract %slice3A_87[0] : f32 from vector<1xf32>
          %get3A_89 = arith.index_cast %while3A_68 : i32 to index
          %get3A_90 = tpu.vector_load %arg29[%get3A_89] {strides = array<i32>} : memref<48xi32, #tpu.memory_space<vmem>>, vector<16xi32>,
          %slice3A_91 = vector.extract_strided_slice %get3A_90 {offsets = [0], sizes = [1], strides = [1]} : vector<16xi32> to vector<1xi32>
          %squeeze3A_92 = vector.extract %slice3A_91[0] : i32 from vector<1xi32>
          %add3A_93 = arith.constant 1 : i32
          %add3A_94 = arith.addi %while3A_68, %add3A_93 : i32
          %while3A_95 = arith.constant 0 : i32
          %while3A_96 = arith.subi %scan3A_57, %add3A_94 : i32
          %while3A_97 = arith.addi %add3A_94, %while3A_96 : i32
          %while3A_98 = arith.constant 1 : i32
          %while3A_99 = arith.divsi %while3A_96, %while3A_98 : i32
          %while3A_100 = arith.muli %while3A_99, %while3A_98 : i32
          %while3A_101 = arith.addi %add3A_94, %while3A_100 : i32
          %while3A_102 = arith.constant 1 : i32
          scf.for %while3A_104 = %add3A_94 to %while3A_101 step %while3A_102  : i32 {
            %get3A_105 = arith.index_cast %while3A_104 : i32 to index
            %get3A_106 = tpu.vector_load %arg24[%get3A_105] {strides = array<i32>} : memref<48xf32, #tpu.memory_space<vmem>>, vector<16xf32>,
            %slice3A_107 = vector.extract_strided_slice %get3A_106 {offsets = [0], sizes = [1], strides = [1]} : vector<16xf32> to vector<1xf32>
            %squeeze3A_108 = vector.extract %slice3A_107[0] : f32 from vector<1xf32>
            %get3A_109 = arith.index_cast %while3A_104 : i32 to index
            %get3A_110 = tpu.vector_load %arg26[%get3A_109] {strides = array<i32>} : memref<48xf32, #tpu.memory_space<vmem>>, vector<16xf32>,
            %slice3A_111 = vector.extract_strided_slice %get3A_110 {offsets = [0], sizes = [1], strides = [1]} : vector<16xf32> to vector<1xf32>
            %squeeze3A_112 = vector.extract %slice3A_111[0] : f32 from vector<1xf32>
            %mul3A_113 = arith.mulf %squeeze3A_80, %squeeze3A_112 : f32
            %get3A_114 = arith.index_cast %while3A_104 : i32 to index
            %get3A_115 = tpu.vector_load %arg27[%get3A_114] {strides = array<i32>} : memref<48xf32, #tpu.memory_space<vmem>>, vector<16xf32>,
            %slice3A_116 = vector.extract_strided_slice %get3A_115 {offsets = [0], sizes = [1], strides = [1]} : vector<16xf32> to vector<1xf32>
            %squeeze3A_117 = vector.extract %slice3A_116[0] : f32 from vector<1xf32>
            %mul3A_118 = arith.mulf %squeeze3A_84, %squeeze3A_117 : f32
            %add3A_119 = arith.addf %mul3A_113, %mul3A_118 : f32
            %get3A_120 = arith.index_cast %while3A_104 : i32 to index
            %get3A_121 = tpu.vector_load %arg28[%get3A_120] {strides = array<i32>} : memref<48xf32, #tpu.memory_space<vmem>>, vector<16xf32>,
            %slice3A_122 = vector.extract_strided_slice %get3A_121 {offsets = [0], sizes = [1], strides = [1]} : vector<16xf32> to vector<1xf32>
            %squeeze3A_123 = vector.extract %slice3A_122[0] : f32 from vector<1xf32>
            %mul3A_124 = arith.mulf %squeeze3A_88, %squeeze3A_123 : f32
            %add3A_125 = arith.addf %add3A_119, %mul3A_124 : f32
            %get3A_126 = arith.index_cast %while3A_104 : i32 to index
            %get3A_127 = tpu.vector_load %arg29[%get3A_126] {strides = array<i32>} : memref<48xi32, #tpu.memory_space<vmem>>, vector<16xi32>,
            %slice3A_128 = vector.extract_strided_slice %get3A_127 {offsets = [0], sizes = [1], strides = [1]} : vector<16xi32> to vector<1xi32>
            %squeeze3A_129 = vector.extract %slice3A_128[0] : i32 from vector<1xi32>
            %mul3A_130 = arith.mulf %squeeze3A_72, %squeeze3A_108 : f32
            %max3A = arith.constant 9.99999993E-9 : f32
            %max3A_131 = arith.maximumf %mul3A_130, %max3A : f32
            %broadcast_in_dim3A_132 = vector.broadcast %max3A_131 : f32 to vector<16xf32>
            %mul3A_133 = arith.constant 0.949999988 : f32
            %mul3A_134 = arith.mulf %mul3A_133, %add3A_125 : f32
            %broadcast_in_dim3A_135 = vector.broadcast %mul3A_134 : f32 to vector<16xf32>
            %div3A = arith.divf %broadcast_in_dim3A_135, %broadcast_in_dim3A_132 : vector<16xf32>
            %mul3A_136 = arith.mulf %div3A, %div3A : vector<16xf32>
            %sub3A = arith.constant 1.000000e+00 : f32
            %sub3A_137 = vector.broadcast %sub3A : f32 to vector<16xf32>
            %sub3A_138 = arith.subf %sub3A_137, %mul3A_136 : vector<16xf32>
            %max3A_139 = arith.constant 9.99999968E-21 : f32
            %max3A_140 = vector.broadcast %max3A_139 : f32 to vector<16xf32>
            %max3A_141 = arith.maximumf %sub3A_138, %max3A_140 : vector<16xf32>
            %bitcast3A = vector.bitcast %max3A_141 : vector<16xf32> to vector<16xi32>
            %shift_right_arithmetic3A = arith.constant 1 : i32
            %shift_right_arithmetic3A_142 = vector.broadcast %shift_right_arithmetic3A : i32 to vector<16xi32>
            %shift_right_arithmetic3A_143 = arith.shrsi %bitcast3A, %shift_right_arithmetic3A_142 : vector<16xi32>
            %sub3A_144 = arith.constant 1597463007 : i32
            %sub3A_145 = vector.broadcast %sub3A_144 : i32 to vector<16xi32>
            %sub3A_146 = arith.subi %sub3A_145, %shift_right_arithmetic3A_143 : vector<16xi32>
            %bitcast3A_147 = vector.bitcast %sub3A_146 : vector<16xi32> to vector<16xf32>
            %mul3A_148 = arith.constant 5.000000e-01 : f32
            %mul3A_149 = vector.broadcast %mul3A_148 : f32 to vector<16xf32>
            %mul3A_150 = arith.mulf %mul3A_149, %max3A_141 : vector<16xf32>
            %mul3A_151 = arith.mulf %mul3A_150, %bitcast3A_147 : vector<16xf32>
            %mul3A_152 = arith.mulf %mul3A_151, %bitcast3A_147 : vector<16xf32>
            %sub3A_153 = arith.constant 1.500000e+00 : f32
            %sub3A_154 = vector.broadcast %sub3A_153 : f32 to vector<16xf32>
            %sub3A_155 = arith.subf %sub3A_154, %mul3A_152 : vector<16xf32>
            %mul3A_156 = arith.mulf %bitcast3A_147, %sub3A_155 : vector<16xf32>
            %mul3A_157 = arith.constant 5.000000e-01 : f32
            %mul3A_158 = vector.broadcast %mul3A_157 : f32 to vector<16xf32>
            %mul3A_159 = arith.mulf %mul3A_158, %max3A_141 : vector<16xf32>
            %mul3A_160 = arith.mulf %mul3A_159, %mul3A_156 : vector<16xf32>
            %mul3A_161 = arith.mulf %mul3A_160, %mul3A_156 : vector<16xf32>
            %sub3A_162 = arith.constant 1.500000e+00 : f32
            %sub3A_163 = vector.broadcast %sub3A_162 : f32 to vector<16xf32>
            %sub3A_164 = arith.subf %sub3A_163, %mul3A_161 : vector<16xf32>
            %mul3A_165 = arith.mulf %mul3A_156, %sub3A_164 : vector<16xf32>
            %mul3A_166 = arith.constant 5.000000e-01 : f32
            %mul3A_167 = vector.broadcast %mul3A_166 : f32 to vector<16xf32>
            %mul3A_168 = arith.mulf %mul3A_167, %max3A_141 : vector<16xf32>
            %mul3A_169 = arith.mulf %mul3A_168, %mul3A_165 : vector<16xf32>
            %mul3A_170 = arith.mulf %mul3A_169, %mul3A_165 : vector<16xf32>
            %sub3A_171 = arith.constant 1.500000e+00 : f32
            %sub3A_172 = vector.broadcast %sub3A_171 : f32 to vector<16xf32>
            %sub3A_173 = arith.subf %sub3A_172, %mul3A_170 : vector<16xf32>
            %mul3A_174 = arith.mulf %mul3A_165, %sub3A_173 : vector<16xf32>
            %mul3A_175 = arith.mulf %max3A_141, %mul3A_174 : vector<16xf32>
            %add3A_176 = arith.addf %squeeze3A_72, %squeeze3A_108 : f32
            %mul3A_177 = arith.constant 5.000000e-01 : f32
            %mul3A_178 = arith.mulf %mul3A_177, %add3A_176 : f32
            %broadcast_in_dim3A_179 = vector.broadcast %mul3A_178 : f32 to vector<16xf32>
            %mul3A_180 = arith.constant 2.000000e+00 : f32
            %mul3A_181 = arith.mulf %mul3A_180, %squeeze3A_76 : f32
            %get3A_182 = arith.index_cast %while3A_104 : i32 to index
            %get3A_183 = tpu.vector_load %arg25[%get3A_182] {strides = array<i32>} : memref<48xf32, #tpu.memory_space<vmem>>, vector<16xf32>,
            %slice3A_184 = vector.extract_strided_slice %get3A_183 {offsets = [0], sizes = [1], strides = [1]} : vector<16xf32> to vector<1xf32>
            %squeeze3A_185 = vector.extract %slice3A_184[0] : f32 from vector<1xf32>
            %mul3A_186 = arith.mulf %mul3A_181, %squeeze3A_185 : f32
            %min3A = arith.minsi %squeeze3A_92, %squeeze3A_129 : i32
            %max3A_187 = arith.maxsi %squeeze3A_92, %squeeze3A_129 : i32
            %mul3A_188 = arith.constant 4 : i32
            %mul3A_189 = arith.muli %min3A, %mul3A_188 : i32
            %add3A_190 = arith.addi %mul3A_189, %max3A_187 : i32
            %add3A_191 = arith.constant 1 : i32
            %add3A_192 = arith.addi %min3A, %add3A_191 : i32
            %mul3A_193 = arith.muli %min3A, %add3A_192 : i32
            %shift_right_arithmetic3A_194 = arith.constant 1 : i32
            %shift_right_arithmetic3A_195 = arith.shrsi %mul3A_193, %shift_right_arithmetic3A_194 : i32
            %sub3A_196 = arith.subi %add3A_190, %shift_right_arithmetic3A_195 : i32
            %mul3A_197 = arith.constant 32 : i32
            %mul3A_198 = arith.muli %sub3A_196, %mul3A_197 : i32
            %get3A_199 = arith.constant 0 : index
            %get3A_200 = tpu.vector_load %arg17[%get3A_199] {strides = array<i32>} : memref<32xf32, #tpu.memory_space<vmem>>, vector<16xf32>,
            %mul3A_201 = arith.mulf %div3A, %get3A_200 : vector<16xf32>
            %get3A_202 = arith.constant 0 : index
            %get3A_203 = tpu.vector_load %arg18[%get3A_202] {strides = array<i32>} : memref<32xf32, #tpu.memory_space<vmem>>, vector<16xf32>,
            %mul3A_204 = arith.mulf %mul3A_175, %get3A_203 : vector<16xf32>
            %add3A_205 = arith.addf %mul3A_201, %mul3A_204 : vector<16xf32>
            %mul3A_206 = arith.constant 5.000000e-01 : f32
            %mul3A_207 = vector.broadcast %mul3A_206 : f32 to vector<16xf32>
            %mul3A_208 = arith.mulf %mul3A_207, %add3A_205 : vector<16xf32>
            %add3A_209 = arith.constant 5.000000e-01 : f32
            %add3A_210 = vector.broadcast %add3A_209 : f32 to vector<16xf32>
            %add3A_211 = arith.addf %add3A_210, %mul3A_208 : vector<16xf32>
            %mul3A_212 = arith.mulf %add3A_211, %add3A_211 : vector<16xf32>
            %mul3A_213 = arith.mulf %mul3A_212, %mul3A_212 : vector<16xf32>
            %mul3A_214 = arith.mulf %mul3A_213, %mul3A_213 : vector<16xf32>
            %mul3A_215 = arith.mulf %mul3A_214, %mul3A_214 : vector<16xf32>
            %mul3A_216 = arith.mulf %mul3A_215, %mul3A_215 : vector<16xf32>
            %get3A_217 = arith.constant 0 : index
            %get3A_218 = tpu.vector_load %arg19[%get3A_217] {strides = array<i32>} : memref<32xf32, #tpu.memory_space<vmem>>, vector<16xf32>,
            %sub3A_219 = arith.subf %broadcast_in_dim3A_179, %get3A_218 : vector<16xf32>
            %mul3A_220 = vector.broadcast %mul3A_186 : f32 to vector<16xf32>
            %mul3A_221 = arith.mulf %mul3A_216, %mul3A_220 : vector<16xf32>
            %mul3A_222 = arith.mulf %sub3A_219, %sub3A_219 : vector<16xf32>
            %mul3A_223 = arith.constant -8.000000e+00 : f32
            %mul3A_224 = vector.broadcast %mul3A_223 : f32 to vector<16xf32>
            %mul3A_225 = arith.mulf %mul3A_222, %mul3A_224 : vector<16xf32>
            %exp3A = math.exp %mul3A_225 : vector<16xf32>
            %mul3A_226 = arith.mulf %mul3A_221, %exp3A : vector<16xf32>
            %add3A_227 = arith.constant 0 : i32
            %add3A_228 = arith.addi %mul3A_198, %add3A_227 : i32
            %get3A_229 = arith.index_cast %scan3A_37 : i32 to index
            %get3A_230 = arith.index_cast %add3A_228 : i32 to index
            %get3A_231 = tpu.vector_load %arg21[%get3A_229, %get3A_230] {strides = array<i32>} : memref<128x320xf32, #tpu.memory_space<vmem>>, vector<16xf32>,
            %add3A_232 = arith.addf %get3A_231, %mul3A_226 : vector<16xf32>
            %swap3A = arith.index_cast %scan3A_37 : i32 to index
            %swap3A_233 = arith.index_cast %add3A_228 : i32 to index
            %swap3A_234 = tpu.vector_load %arg21[%swap3A, %swap3A_233] {strides = array<i32>} : memref<128x320xf32, #tpu.memory_space<vmem>>, vector<16xf32>,
            tpu.vector_store %arg21[%swap3A, %swap3A_233], %add3A_232 {strides = array<i32>} : memref<128x320xf32, #tpu.memory_space<vmem>>, vector<16xf32>,
            %get3A_235 = arith.constant 16 : index
            %get3A_236 = tpu.vector_load %arg17[%get3A_235] {strides = array<i32>} : memref<32xf32, #tpu.memory_space<vmem>>, vector<16xf32>,
            %mul3A_237 = arith.mulf %div3A, %get3A_236 : vector<16xf32>
            %get3A_238 = arith.constant 16 : index
            %get3A_239 = tpu.vector_load %arg18[%get3A_238] {strides = array<i32>} : memref<32xf32, #tpu.memory_space<vmem>>, vector<16xf32>,
            %mul3A_240 = arith.mulf %mul3A_175, %get3A_239 : vector<16xf32>
            %add3A_241 = arith.addf %mul3A_237, %mul3A_240 : vector<16xf32>
            %mul3A_242 = arith.constant 5.000000e-01 : f32
            %mul3A_243 = vector.broadcast %mul3A_242 : f32 to vector<16xf32>
            %mul3A_244 = arith.mulf %mul3A_243, %add3A_241 : vector<16xf32>
            %add3A_245 = arith.constant 5.000000e-01 : f32
            %add3A_246 = vector.broadcast %add3A_245 : f32 to vector<16xf32>
            %add3A_247 = arith.addf %add3A_246, %mul3A_244 : vector<16xf32>
            %mul3A_248 = arith.mulf %add3A_247, %add3A_247 : vector<16xf32>
            %mul3A_249 = arith.mulf %mul3A_248, %mul3A_248 : vector<16xf32>
            %mul3A_250 = arith.mulf %mul3A_249, %mul3A_249 : vector<16xf32>
            %mul3A_251 = arith.mulf %mul3A_250, %mul3A_250 : vector<16xf32>
            %mul3A_252 = arith.mulf %mul3A_251, %mul3A_251 : vector<16xf32>
            %get3A_253 = arith.constant 16 : index
            %get3A_254 = tpu.vector_load %arg19[%get3A_253] {strides = array<i32>} : memref<32xf32, #tpu.memory_space<vmem>>, vector<16xf32>,
            %sub3A_255 = arith.subf %broadcast_in_dim3A_179, %get3A_254 : vector<16xf32>
            %mul3A_256 = vector.broadcast %mul3A_186 : f32 to vector<16xf32>
            %mul3A_257 = arith.mulf %mul3A_252, %mul3A_256 : vector<16xf32>
            %mul3A_258 = arith.mulf %sub3A_255, %sub3A_255 : vector<16xf32>
            %mul3A_259 = arith.constant -8.000000e+00 : f32
            %mul3A_260 = vector.broadcast %mul3A_259 : f32 to vector<16xf32>
            %mul3A_261 = arith.mulf %mul3A_258, %mul3A_260 : vector<16xf32>
            %exp3A_262 = math.exp %mul3A_261 : vector<16xf32>
            %mul3A_263 = arith.mulf %mul3A_257, %exp3A_262 : vector<16xf32>
            %add3A_264 = arith.constant 16 : i32
            %add3A_265 = arith.addi %mul3A_198, %add3A_264 : i32
            %get3A_266 = arith.index_cast %scan3A_37 : i32 to index
            %get3A_267 = arith.index_cast %add3A_265 : i32 to index
            %get3A_268 = tpu.vector_load %arg21[%get3A_266, %get3A_267] {strides = array<i32>} : memref<128x320xf32, #tpu.memory_space<vmem>>, vector<16xf32>,
            %add3A_269 = arith.addf %get3A_268, %mul3A_263 : vector<16xf32>
            %swap3A_270 = arith.index_cast %scan3A_37 : i32 to index
            %swap3A_271 = arith.index_cast %add3A_265 : i32 to index
            %swap3A_272 = tpu.vector_load %arg21[%swap3A_270, %swap3A_271] {strides = array<i32>} : memref<128x320xf32, #tpu.memory_space<vmem>>, vector<16xf32>,
            tpu.vector_store %arg21[%swap3A_270, %swap3A_271], %add3A_269 {strides = array<i32>} : memref<128x320xf32, #tpu.memory_space<vmem>>, vector<16xf32>,
          }
          %while3A_103 = arith.constant 1 : i32
          scf.for %while3A_104 = %while3A_101 to %while3A_97 step %while3A_103  : i32 {
            %get3A_105 = arith.index_cast %while3A_104 : i32 to index
            %get3A_106 = tpu.vector_load %arg24[%get3A_105] {strides = array<i32>} : memref<48xf32, #tpu.memory_space<vmem>>, vector<16xf32>,
            %slice3A_107 = vector.extract_strided_slice %get3A_106 {offsets = [0], sizes = [1], strides = [1]} : vector<16xf32> to vector<1xf32>
            %squeeze3A_108 = vector.extract %slice3A_107[0] : f32 from vector<1xf32>
            %get3A_109 = arith.index_cast %while3A_104 : i32 to index
            %get3A_110 = tpu.vector_load %arg26[%get3A_109] {strides = array<i32>} : memref<48xf32, #tpu.memory_space<vmem>>, vector<16xf32>,
            %slice3A_111 = vector.extract_strided_slice %get3A_110 {offsets = [0], sizes = [1], strides = [1]} : vector<16xf32> to vector<1xf32>
            %squeeze3A_112 = vector.extract %slice3A_111[0] : f32 from vector<1xf32>
            %mul3A_113 = arith.mulf %squeeze3A_80, %squeeze3A_112 : f32
            %get3A_114 = arith.index_cast %while3A_104 : i32 to index
            %get3A_115 = tpu.vector_load %arg27[%get3A_114] {strides = array<i32>} : memref<48xf32, #tpu.memory_space<vmem>>, vector<16xf32>,
            %slice3A_116 = vector.extract_strided_slice %get3A_115 {offsets = [0], sizes = [1], strides = [1]} : vector<16xf32> to vector<1xf32>
            %squeeze3A_117 = vector.extract %slice3A_116[0] : f32 from vector<1xf32>
            %mul3A_118 = arith.mulf %squeeze3A_84, %squeeze3A_117 : f32
            %add3A_119 = arith.addf %mul3A_113, %mul3A_118 : f32
            %get3A_120 = arith.index_cast %while3A_104 : i32 to index
            %get3A_121 = tpu.vector_load %arg28[%get3A_120] {strides = array<i32>} : memref<48xf32, #tpu.memory_space<vmem>>, vector<16xf32>,
            %slice3A_122 = vector.extract_strided_slice %get3A_121 {offsets = [0], sizes = [1], strides = [1]} : vector<16xf32> to vector<1xf32>
            %squeeze3A_123 = vector.extract %slice3A_122[0] : f32 from vector<1xf32>
            %mul3A_124 = arith.mulf %squeeze3A_88, %squeeze3A_123 : f32
            %add3A_125 = arith.addf %add3A_119, %mul3A_124 : f32
            %get3A_126 = arith.index_cast %while3A_104 : i32 to index
            %get3A_127 = tpu.vector_load %arg29[%get3A_126] {strides = array<i32>} : memref<48xi32, #tpu.memory_space<vmem>>, vector<16xi32>,
            %slice3A_128 = vector.extract_strided_slice %get3A_127 {offsets = [0], sizes = [1], strides = [1]} : vector<16xi32> to vector<1xi32>
            %squeeze3A_129 = vector.extract %slice3A_128[0] : i32 from vector<1xi32>
            %mul3A_130 = arith.mulf %squeeze3A_72, %squeeze3A_108 : f32
            %max3A = arith.constant 9.99999993E-9 : f32
            %max3A_131 = arith.maximumf %mul3A_130, %max3A : f32
            %broadcast_in_dim3A_132 = vector.broadcast %max3A_131 : f32 to vector<16xf32>
            %mul3A_133 = arith.constant 0.949999988 : f32
            %mul3A_134 = arith.mulf %mul3A_133, %add3A_125 : f32
            %broadcast_in_dim3A_135 = vector.broadcast %mul3A_134 : f32 to vector<16xf32>
            %div3A = arith.divf %broadcast_in_dim3A_135, %broadcast_in_dim3A_132 : vector<16xf32>
            %mul3A_136 = arith.mulf %div3A, %div3A : vector<16xf32>
            %sub3A = arith.constant 1.000000e+00 : f32
            %sub3A_137 = vector.broadcast %sub3A : f32 to vector<16xf32>
            %sub3A_138 = arith.subf %sub3A_137, %mul3A_136 : vector<16xf32>
            %max3A_139 = arith.constant 9.99999968E-21 : f32
            %max3A_140 = vector.broadcast %max3A_139 : f32 to vector<16xf32>
            %max3A_141 = arith.maximumf %sub3A_138, %max3A_140 : vector<16xf32>
            %bitcast3A = vector.bitcast %max3A_141 : vector<16xf32> to vector<16xi32>
            %shift_right_arithmetic3A = arith.constant 1 : i32
            %shift_right_arithmetic3A_142 = vector.broadcast %shift_right_arithmetic3A : i32 to vector<16xi32>
            %shift_right_arithmetic3A_143 = arith.shrsi %bitcast3A, %shift_right_arithmetic3A_142 : vector<16xi32>
            %sub3A_144 = arith.constant 1597463007 : i32
            %sub3A_145 = vector.broadcast %sub3A_144 : i32 to vector<16xi32>
            %sub3A_146 = arith.subi %sub3A_145, %shift_right_arithmetic3A_143 : vector<16xi32>
            %bitcast3A_147 = vector.bitcast %sub3A_146 : vector<16xi32> to vector<16xf32>
            %mul3A_148 = arith.constant 5.000000e-01 : f32
            %mul3A_149 = vector.broadcast %mul3A_148 : f32 to vector<16xf32>
            %mul3A_150 = arith.mulf %mul3A_149, %max3A_141 : vector<16xf32>
            %mul3A_151 = arith.mulf %mul3A_150, %bitcast3A_147 : vector<16xf32>
            %mul3A_152 = arith.mulf %mul3A_151, %bitcast3A_147 : vector<16xf32>
            %sub3A_153 = arith.constant 1.500000e+00 : f32
            %sub3A_154 = vector.broadcast %sub3A_153 : f32 to vector<16xf32>
            %sub3A_155 = arith.subf %sub3A_154, %mul3A_152 : vector<16xf32>
            %mul3A_156 = arith.mulf %bitcast3A_147, %sub3A_155 : vector<16xf32>
            %mul3A_157 = arith.constant 5.000000e-01 : f32
            %mul3A_158 = vector.broadcast %mul3A_157 : f32 to vector<16xf32>
            %mul3A_159 = arith.mulf %mul3A_158, %max3A_141 : vector<16xf32>
            %mul3A_160 = arith.mulf %mul3A_159, %mul3A_156 : vector<16xf32>
            %mul3A_161 = arith.mulf %mul3A_160, %mul3A_156 : vector<16xf32>
            %sub3A_162 = arith.constant 1.500000e+00 : f32
            %sub3A_163 = vector.broadcast %sub3A_162 : f32 to vector<16xf32>
            %sub3A_164 = arith.subf %sub3A_163, %mul3A_161 : vector<16xf32>
            %mul3A_165 = arith.mulf %mul3A_156, %sub3A_164 : vector<16xf32>
            %mul3A_166 = arith.constant 5.000000e-01 : f32
            %mul3A_167 = vector.broadcast %mul3A_166 : f32 to vector<16xf32>
            %mul3A_168 = arith.mulf %mul3A_167, %max3A_141 : vector<16xf32>
            %mul3A_169 = arith.mulf %mul3A_168, %mul3A_165 : vector<16xf32>
            %mul3A_170 = arith.mulf %mul3A_169, %mul3A_165 : vector<16xf32>
            %sub3A_171 = arith.constant 1.500000e+00 : f32
            %sub3A_172 = vector.broadcast %sub3A_171 : f32 to vector<16xf32>
            %sub3A_173 = arith.subf %sub3A_172, %mul3A_170 : vector<16xf32>
            %mul3A_174 = arith.mulf %mul3A_165, %sub3A_173 : vector<16xf32>
            %mul3A_175 = arith.mulf %max3A_141, %mul3A_174 : vector<16xf32>
            %add3A_176 = arith.addf %squeeze3A_72, %squeeze3A_108 : f32
            %mul3A_177 = arith.constant 5.000000e-01 : f32
            %mul3A_178 = arith.mulf %mul3A_177, %add3A_176 : f32
            %broadcast_in_dim3A_179 = vector.broadcast %mul3A_178 : f32 to vector<16xf32>
            %mul3A_180 = arith.constant 2.000000e+00 : f32
            %mul3A_181 = arith.mulf %mul3A_180, %squeeze3A_76 : f32
            %get3A_182 = arith.index_cast %while3A_104 : i32 to index
            %get3A_183 = tpu.vector_load %arg25[%get3A_182] {strides = array<i32>} : memref<48xf32, #tpu.memory_space<vmem>>, vector<16xf32>,
            %slice3A_184 = vector.extract_strided_slice %get3A_183 {offsets = [0], sizes = [1], strides = [1]} : vector<16xf32> to vector<1xf32>
            %squeeze3A_185 = vector.extract %slice3A_184[0] : f32 from vector<1xf32>
            %mul3A_186 = arith.mulf %mul3A_181, %squeeze3A_185 : f32
            %min3A = arith.minsi %squeeze3A_92, %squeeze3A_129 : i32
            %max3A_187 = arith.maxsi %squeeze3A_92, %squeeze3A_129 : i32
            %mul3A_188 = arith.constant 4 : i32
            %mul3A_189 = arith.muli %min3A, %mul3A_188 : i32
            %add3A_190 = arith.addi %mul3A_189, %max3A_187 : i32
            %add3A_191 = arith.constant 1 : i32
            %add3A_192 = arith.addi %min3A, %add3A_191 : i32
            %mul3A_193 = arith.muli %min3A, %add3A_192 : i32
            %shift_right_arithmetic3A_194 = arith.constant 1 : i32
            %shift_right_arithmetic3A_195 = arith.shrsi %mul3A_193, %shift_right_arithmetic3A_194 : i32
            %sub3A_196 = arith.subi %add3A_190, %shift_right_arithmetic3A_195 : i32
            %mul3A_197 = arith.constant 32 : i32
            %mul3A_198 = arith.muli %sub3A_196, %mul3A_197 : i32
            %get3A_199 = arith.constant 0 : index
            %get3A_200 = tpu.vector_load %arg17[%get3A_199] {strides = array<i32>} : memref<32xf32, #tpu.memory_space<vmem>>, vector<16xf32>,
            %mul3A_201 = arith.mulf %div3A, %get3A_200 : vector<16xf32>
            %get3A_202 = arith.constant 0 : index
            %get3A_203 = tpu.vector_load %arg18[%get3A_202] {strides = array<i32>} : memref<32xf32, #tpu.memory_space<vmem>>, vector<16xf32>,
            %mul3A_204 = arith.mulf %mul3A_175, %get3A_203 : vector<16xf32>
            %add3A_205 = arith.addf %mul3A_201, %mul3A_204 : vector<16xf32>
            %mul3A_206 = arith.constant 5.000000e-01 : f32
            %mul3A_207 = vector.broadcast %mul3A_206 : f32 to vector<16xf32>
            %mul3A_208 = arith.mulf %mul3A_207, %add3A_205 : vector<16xf32>
            %add3A_209 = arith.constant 5.000000e-01 : f32
            %add3A_210 = vector.broadcast %add3A_209 : f32 to vector<16xf32>
            %add3A_211 = arith.addf %add3A_210, %mul3A_208 : vector<16xf32>
            %mul3A_212 = arith.mulf %add3A_211, %add3A_211 : vector<16xf32>
            %mul3A_213 = arith.mulf %mul3A_212, %mul3A_212 : vector<16xf32>
            %mul3A_214 = arith.mulf %mul3A_213, %mul3A_213 : vector<16xf32>
            %mul3A_215 = arith.mulf %mul3A_214, %mul3A_214 : vector<16xf32>
            %mul3A_216 = arith.mulf %mul3A_215, %mul3A_215 : vector<16xf32>
            %get3A_217 = arith.constant 0 : index
            %get3A_218 = tpu.vector_load %arg19[%get3A_217] {strides = array<i32>} : memref<32xf32, #tpu.memory_space<vmem>>, vector<16xf32>,
            %sub3A_219 = arith.subf %broadcast_in_dim3A_179, %get3A_218 : vector<16xf32>
            %mul3A_220 = vector.broadcast %mul3A_186 : f32 to vector<16xf32>
            %mul3A_221 = arith.mulf %mul3A_216, %mul3A_220 : vector<16xf32>
            %mul3A_222 = arith.mulf %sub3A_219, %sub3A_219 : vector<16xf32>
            %mul3A_223 = arith.constant -8.000000e+00 : f32
            %mul3A_224 = vector.broadcast %mul3A_223 : f32 to vector<16xf32>
            %mul3A_225 = arith.mulf %mul3A_222, %mul3A_224 : vector<16xf32>
            %exp3A = math.exp %mul3A_225 : vector<16xf32>
            %mul3A_226 = arith.mulf %mul3A_221, %exp3A : vector<16xf32>
            %add3A_227 = arith.constant 0 : i32
            %add3A_228 = arith.addi %mul3A_198, %add3A_227 : i32
            %get3A_229 = arith.index_cast %scan3A_37 : i32 to index
            %get3A_230 = arith.index_cast %add3A_228 : i32 to index
            %get3A_231 = tpu.vector_load %arg21[%get3A_229, %get3A_230] {strides = array<i32>} : memref<128x320xf32, #tpu.memory_space<vmem>>, vector<16xf32>,
            %add3A_232 = arith.addf %get3A_231, %mul3A_226 : vector<16xf32>
            %swap3A = arith.index_cast %scan3A_37 : i32 to index
            %swap3A_233 = arith.index_cast %add3A_228 : i32 to index
            %swap3A_234 = tpu.vector_load %arg21[%swap3A, %swap3A_233] {strides = array<i32>} : memref<128x320xf32, #tpu.memory_space<vmem>>, vector<16xf32>,
            tpu.vector_store %arg21[%swap3A, %swap3A_233], %add3A_232 {strides = array<i32>} : memref<128x320xf32, #tpu.memory_space<vmem>>, vector<16xf32>,
            %get3A_235 = arith.constant 16 : index
            %get3A_236 = tpu.vector_load %arg17[%get3A_235] {strides = array<i32>} : memref<32xf32, #tpu.memory_space<vmem>>, vector<16xf32>,
            %mul3A_237 = arith.mulf %div3A, %get3A_236 : vector<16xf32>
            %get3A_238 = arith.constant 16 : index
            %get3A_239 = tpu.vector_load %arg18[%get3A_238] {strides = array<i32>} : memref<32xf32, #tpu.memory_space<vmem>>, vector<16xf32>,
            %mul3A_240 = arith.mulf %mul3A_175, %get3A_239 : vector<16xf32>
            %add3A_241 = arith.addf %mul3A_237, %mul3A_240 : vector<16xf32>
            %mul3A_242 = arith.constant 5.000000e-01 : f32
            %mul3A_243 = vector.broadcast %mul3A_242 : f32 to vector<16xf32>
            %mul3A_244 = arith.mulf %mul3A_243, %add3A_241 : vector<16xf32>
            %add3A_245 = arith.constant 5.000000e-01 : f32
            %add3A_246 = vector.broadcast %add3A_245 : f32 to vector<16xf32>
            %add3A_247 = arith.addf %add3A_246, %mul3A_244 : vector<16xf32>
            %mul3A_248 = arith.mulf %add3A_247, %add3A_247 : vector<16xf32>
            %mul3A_249 = arith.mulf %mul3A_248, %mul3A_248 : vector<16xf32>
            %mul3A_250 = arith.mulf %mul3A_249, %mul3A_249 : vector<16xf32>
            %mul3A_251 = arith.mulf %mul3A_250, %mul3A_250 : vector<16xf32>
            %mul3A_252 = arith.mulf %mul3A_251, %mul3A_251 : vector<16xf32>
            %get3A_253 = arith.constant 16 : index
            %get3A_254 = tpu.vector_load %arg19[%get3A_253] {strides = array<i32>} : memref<32xf32, #tpu.memory_space<vmem>>, vector<16xf32>,
            %sub3A_255 = arith.subf %broadcast_in_dim3A_179, %get3A_254 : vector<16xf32>
            %mul3A_256 = vector.broadcast %mul3A_186 : f32 to vector<16xf32>
            %mul3A_257 = arith.mulf %mul3A_252, %mul3A_256 : vector<16xf32>
            %mul3A_258 = arith.mulf %sub3A_255, %sub3A_255 : vector<16xf32>
            %mul3A_259 = arith.constant -8.000000e+00 : f32
            %mul3A_260 = vector.broadcast %mul3A_259 : f32 to vector<16xf32>
            %mul3A_261 = arith.mulf %mul3A_258, %mul3A_260 : vector<16xf32>
            %exp3A_262 = math.exp %mul3A_261 : vector<16xf32>
            %mul3A_263 = arith.mulf %mul3A_257, %exp3A_262 : vector<16xf32>
            %add3A_264 = arith.constant 16 : i32
            %add3A_265 = arith.addi %mul3A_198, %add3A_264 : i32
            %get3A_266 = arith.index_cast %scan3A_37 : i32 to index
            %get3A_267 = arith.index_cast %add3A_265 : i32 to index
            %get3A_268 = tpu.vector_load %arg21[%get3A_266, %get3A_267] {strides = array<i32>} : memref<128x320xf32, #tpu.memory_space<vmem>>, vector<16xf32>,
            %add3A_269 = arith.addf %get3A_268, %mul3A_263 : vector<16xf32>
            %swap3A_270 = arith.index_cast %scan3A_37 : i32 to index
            %swap3A_271 = arith.index_cast %add3A_265 : i32 to index
            %swap3A_272 = tpu.vector_load %arg21[%swap3A_270, %swap3A_271] {strides = array<i32>} : memref<128x320xf32, #tpu.memory_space<vmem>>, vector<16xf32>,
            tpu.vector_store %arg21[%swap3A_270, %swap3A_271], %add3A_269 {strides = array<i32>} : memref<128x320xf32, #tpu.memory_space<vmem>>, vector<16xf32>,
          }
        }
      }
      %scan3A_36 = arith.constant 128 : i32
      "tpu.region"() ({
        %run_scoped3A = tpu.sem_alloc : memref<!tpu.dma_semaphore, #tpu.memory_space<semaphore_mem>>
        %dma_start3A = arith.constant 0 : i32
        %dma_start3A_37 = arith.constant 0 : i32
        %dma_start3A_38 = tpu.memref_slice %arg10[%add3A_12, %dma_start3A, %dma_start3A_37] : memref<256x128x64xf32, #tpu.memory_space<hbm>> -> memref<1x128x64xf32, #tpu.memory_space<hbm>>
        %dma_start3A_39 = tpu.memref_squeeze %dma_start3A_38 : memref<1x128x64xf32, #tpu.memory_space<hbm>> -> memref<128x64xf32, #tpu.memory_space<hbm>>
        %dma_start3A_40 = arith.constant 0 : i32
        %dma_start3A_41 = arith.constant 0 : i32
        %dma_start3A_42 = tpu.memref_slice %arg10[%add3A_12, %dma_start3A_40, %dma_start3A_41] : memref<256x128x64xf32, #tpu.memory_space<hbm>> -> memref<1x128x64xf32, #tpu.memory_space<hbm>>
        %dma_start3A_43 = tpu.memref_squeeze %dma_start3A_42 : memref<1x128x64xf32, #tpu.memory_space<hbm>> -> memref<128x64xf32, #tpu.memory_space<hbm>>
        tpu.enqueue_dma source(%arg20 : memref<128x64xf32, #tpu.memory_space<vmem>>) target(%dma_start3A_43 : memref<128x64xf32, #tpu.memory_space<hbm>>) target_semaphore(%run_scoped3A : memref<!tpu.dma_semaphore, #tpu.memory_space<semaphore_mem>>)
        %dma_wait3A = arith.constant 0 : i32
        %dma_wait3A_44 = arith.constant 0 : i32
        %dma_wait3A_45 = tpu.memref_slice %arg10[%add3A_12, %dma_wait3A, %dma_wait3A_44] : memref<256x128x64xf32, #tpu.memory_space<hbm>> -> memref<1x128x64xf32, #tpu.memory_space<hbm>>
        %dma_wait3A_46 = tpu.memref_squeeze %dma_wait3A_45 : memref<1x128x64xf32, #tpu.memory_space<hbm>> -> memref<128x64xf32, #tpu.memory_space<hbm>>
        %dma_wait3A_47 = arith.constant 0 : i32
        %dma_wait3A_48 = arith.constant 0 : i32
        %dma_wait3A_49 = tpu.memref_slice %arg10[%add3A_12, %dma_wait3A_47, %dma_wait3A_48] : memref<256x128x64xf32, #tpu.memory_space<hbm>> -> memref<1x128x64xf32, #tpu.memory_space<hbm>>
        %dma_wait3A_50 = tpu.memref_squeeze %dma_wait3A_49 : memref<1x128x64xf32, #tpu.memory_space<hbm>> -> memref<128x64xf32, #tpu.memory_space<hbm>>
        tpu.wait_dma2 semaphore(%run_scoped3A : memref<!tpu.dma_semaphore, #tpu.memory_space<semaphore_mem>>) src(%arg20 : memref<128x64xf32, #tpu.memory_space<vmem>>) dst(%dma_wait3A_50 : memref<128x64xf32, #tpu.memory_space<hbm>>)
        tpu.yield
      }) : () -> ()
      "tpu.region"() ({
        %run_scoped3A = tpu.sem_alloc : memref<!tpu.dma_semaphore, #tpu.memory_space<semaphore_mem>>
        %dma_start3A = arith.constant 0 : i32
        %dma_start3A_37 = arith.constant 0 : i32
        %dma_start3A_38 = tpu.memref_slice %arg11[%add3A_12, %dma_start3A, %dma_start3A_37] : memref<256x128x320xf32, #tpu.memory_space<hbm>> -> memref<1x128x320xf32, #tpu.memory_space<hbm>>
        %dma_start3A_39 = tpu.memref_squeeze %dma_start3A_38 : memref<1x128x320xf32, #tpu.memory_space<hbm>> -> memref<128x320xf32, #tpu.memory_space<hbm>>
        %dma_start3A_40 = arith.constant 0 : i32
        %dma_start3A_41 = arith.constant 0 : i32
        %dma_start3A_42 = tpu.memref_slice %arg11[%add3A_12, %dma_start3A_40, %dma_start3A_41] : memref<256x128x320xf32, #tpu.memory_space<hbm>> -> memref<1x128x320xf32, #tpu.memory_space<hbm>>
        %dma_start3A_43 = tpu.memref_squeeze %dma_start3A_42 : memref<1x128x320xf32, #tpu.memory_space<hbm>> -> memref<128x320xf32, #tpu.memory_space<hbm>>
        tpu.enqueue_dma source(%arg21 : memref<128x320xf32, #tpu.memory_space<vmem>>) target(%dma_start3A_43 : memref<128x320xf32, #tpu.memory_space<hbm>>) target_semaphore(%run_scoped3A : memref<!tpu.dma_semaphore, #tpu.memory_space<semaphore_mem>>)
        %dma_wait3A = arith.constant 0 : i32
        %dma_wait3A_44 = arith.constant 0 : i32
        %dma_wait3A_45 = tpu.memref_slice %arg11[%add3A_12, %dma_wait3A, %dma_wait3A_44] : memref<256x128x320xf32, #tpu.memory_space<hbm>> -> memref<1x128x320xf32, #tpu.memory_space<hbm>>
        %dma_wait3A_46 = tpu.memref_squeeze %dma_wait3A_45 : memref<1x128x320xf32, #tpu.memory_space<hbm>> -> memref<128x320xf32, #tpu.memory_space<hbm>>
        %dma_wait3A_47 = arith.constant 0 : i32
        %dma_wait3A_48 = arith.constant 0 : i32
        %dma_wait3A_49 = tpu.memref_slice %arg11[%add3A_12, %dma_wait3A_47, %dma_wait3A_48] : memref<256x128x320xf32, #tpu.memory_space<hbm>> -> memref<1x128x320xf32, #tpu.memory_space<hbm>>
        %dma_wait3A_50 = tpu.memref_squeeze %dma_wait3A_49 : memref<1x128x320xf32, #tpu.memory_space<hbm>> -> memref<128x320xf32, #tpu.memory_space<hbm>>
        tpu.wait_dma2 semaphore(%run_scoped3A : memref<!tpu.dma_semaphore, #tpu.memory_space<semaphore_mem>>) src(%arg21 : memref<128x320xf32, #tpu.memory_space<vmem>>) dst(%dma_wait3A_50 : memref<128x320xf32, #tpu.memory_space<hbm>>)
        tpu.yield
      }) : () -> ()
    }
    %scan3A_8 = arith.constant 8 : i32
    return
  }
}

</mosaic_0001>

<sc_bundles>
// kernel: _aev_sc.3.cloned.1.call-start
scs
__scs_entry_jumppad:
0x0: {  	(pc) =	sbr.rel $0x88, $3  }
0x1: {  	(tag) =	ssettag $0x0;
	lr =	simm.s32 $0x1  }
0x2: {  	[smem:$0x3F9D] =	sst lr;
	_ =	strace $0xD0000000  }
0x3: {  	_ = 	snop  }
0x4: {  	_ = 	snop  }
0x5: {  	_ = 	snop  }
0x6: {  	_ = 	snop  }
0x7: {  	_ = 	snop  }
__scs_overlays_trampoline_lowered:
0x8: {  	[smem:$0x3FAC] =	sst s0  }
0x9: {  	[smem:$0x3FAD] =	sst s1  }
0xa: {  	[smem:$0x3FAE] =	sst s2  }
0xb: {  	[smem:$0x3FAF] =	sst s3  }
0xc: {  	[smem:$0x3FB0] =	sst s4  }
0xd: {  	[smem:$0x3FB1] =	sst s5  }
0xe: {  	[smem:$0x3FB2] =	sst s6  }
0xf: {  	[smem:$0x3FB3] =	sst s7  }
0x10: {  	[smem:$0x3FB4] =	sst s8  }
0x11: {  	[smem:$0x3FB5] =	sst s9;
	s0 =	simm.s32 @!p0 $0x0  }
0x12: {  	s1 =	sld [smem:$0x3F9B];
	s0 =	simm.s32 @p0 $0x1  }
0x13: {  	[smem:$0x3FB6] =	sst s0;
	s0 =	simm.s32 @!p1 $0x0  }
0x14: {  	s2 =	sld [smem:$0x3F9A];
	s0 =	simm.s32 @p1 $0x1  }
0x15: {  	[smem:$0x3FB7] =	sst s0;
	s0 =	simm.s32 @!p2 $0x0  }
0x16: {  	s3 =	sld [smem:$0x3FDB];
	s0 =	simm.s32 @p2 $0x1  }
0x17: {  	s4 =	simm.s32 $0x1BF5;
	[smem:$0x3FB9] =	sst s0  }
0x18: {  	s0 =	sld [smem:$0x3F9C];
	_ =	swait.ge [sflag:s4], $0x0  }
0x19: {  	s7 =	sld [smem:$0x3F9D]  }
0x1a: {  	s8 =	sadd.s32 $0xFFFFE003, lr  }
0x1b: {  	s9 =	sadd.s32 $0xFFFFFEF7, lr;
	s5 =	simm.s32 $0xFFFFFFFF;
	p2 =	slt.u32 s8, $0xFFFFF086  }
0x1c: {  	p1 =	slt.u32 s9, $0xF7A;
	s5 =	simm.s32 @!p2 $0x0  }
0x1d: {  	s5 =	simm.s32 @p1 $0x1;
	p0 =	seq.s32 s7, s2  }
0x1e: {  	s7 =	smul.u32 @!p0 $0xF7A, s2;
	p2 =	seq.s32 @!p0 s5, $0x0  }
0x1f: {  	s9 =	smul.u32 $0xF7A, s1;
	s8 =	simm.s32 @!p0 $0x1BF5;
	p2 =	por !p2, p0  }
0x20: {  	[sflag:s8] =	ssyncset.s32 @!p0 $0xFFFFF086;
	s6 =	sadd.s32 @!p0 s3, s7;
	s7 =	simm.s32 @!p0 $0x108  }
0x21: {  	s3 =	sadd.s32 s3, s9;
	s6 =	sadd.s32 @!p0 $0x88, s6;
	s7 =	simm.s32 @p2 $0x1082  }
0x22: {  	[simem:s7], [sflag:s8] =	dma.local @!p0 [hbm:s6], $0xF7A  }
0x23: {  	s9 =	sor.u32 $0xD0000000, s2;
	s6 =	simm.s32 $0x108;
	_ =	swait.ge @!p0 [sflag:s8], $0x0  }
0x24: {  	s3 =	sadd.s32 $0x88, s3;
	s6 =	simm.s32 @!p1 $0x1082;
	[sflag:s4] =	ssyncset.s32 $0xFFFFF086  }
0x25: {  	[simem:s6], [sflag:s4] =	dma.local [hbm:s3], $0xF7A  }
0x26: {  	[smem:$0x3F9D] =	sst s1;
	(tag) =	ssettag s2;
	_ =	strace s9  }
0x27: {  	s1 =	sld [smem:$0x3FAD]  }
0x28: {  	s2 =	sld [smem:$0x3FAE]  }
0x29: {  	s4 =	sld [smem:$0x3FB0]  }
0x2a: {  	p0 =	seq.s32 s5, $0x0;
	s5 =	sld [smem:$0x3FB1]  }
0x2b: {  	s6 =	sld [smem:$0x3FB2]  }
0x2c: {  	s7 =	sld [smem:$0x3FB3]  }
0x2d: {  	s3 =	simm.s32 $0x108;
	s8 =	sld [smem:$0x3FB4]  }
0x2e: {  	s3 =	simm.s32 @!p0 $0x1082;
	s9 =	sld [smem:$0x3FB5]  }
0x2f: {  	lr =	sadd.s32 s0, s3;
	s0 =	sld [smem:$0x3FAC]  }
0x30: {  	s3 =	sld [smem:$0x3FAF]  }
0x31: {  	[smem:$0x3FB8] =	sst s10  }
0x32: {  	s10 =	sld [smem:$0x3FB6];
	_ =	sdelay $0x3  }
0x33: {  	p0 =	seq.s32 s10, $0x1;
	s10 =	sld [smem:$0x3FB8];
	_ =	sdelay $0x3  }
0x34: {  	[smem:$0x3FB8] =	sst s10  }
0x35: {  	s10 =	sld [smem:$0x3FB7];
	_ =	sdelay $0x3  }
0x36: {  	p1 =	seq.s32 s10, $0x1;
	s10 =	sld [smem:$0x3FB8];
	_ =	sdelay $0x3  }
0x37: {  	[smem:$0x3FB8] =	sst s10  }
0x38: {  	s10 =	sld [smem:$0x3FB9]  }
0x39: {  	_ = 	snop;
	(pc) =	sbr.ind lr, $3  }
0x3a: {  	_ = 	snop  }
0x3b: {  	_ = 	snop  }
0x3c: {  	p2 =	seq.s32 s10, $0x1;
	s10 =	sld [smem:$0x3FB8]  }
0x3d: {  	_ =	shalt  }
0x3e: {  	_ =	shalt  }
0x3f: {  	_ =	shalt  }
0x40: {  	_ =	shalt  }
0x41: {  	_ =	shalt  }
0x42: {  	_ =	shalt  }
0x43: {  	_ =	shalt  }
0x44: {  	_ =	shalt  }
0x45: {  	_ =	shalt  }
0x46: {  	_ =	shalt  }
0x47: {  	_ =	shalt  }
0x48: {  	_ =	shalt  }
0x49: {  	_ =	shalt  }
0x4a: {  	_ =	shalt  }
0x4b: {  	_ =	shalt  }
0x4c: {  	_ =	shalt  }
0x4d: {  	_ =	shalt  }
0x4e: {  	_ =	shalt  }
0x4f: {  	_ =	shalt  }
0x50: {  	_ =	shalt  }
0x51: {  	_ =	shalt  }
0x52: {  	_ =	shalt  }
0x53: {  	_ =	shalt  }
0x54: {  	_ =	shalt  }
0x55: {  	_ =	shalt  }
0x56: {  	_ =	shalt  }
0x57: {  	_ =	shalt  }
0x58: {  	_ =	shalt  }
0x59: {  	_ =	shalt  }
0x5a: {  	_ =	shalt  }
0x5b: {  	_ =	shalt  }
0x5c: {  	_ =	shalt  }
0x5d: {  	_ =	shalt  }
0x5e: {  	_ =	shalt  }
0x5f: {  	_ =	shalt  }
0x60: {  	_ =	shalt  }
0x61: {  	_ =	shalt  }
0x62: {  	_ =	shalt  }
0x63: {  	_ =	shalt  }
0x64: {  	_ =	shalt  }
0x65: {  	_ =	shalt  }
0x66: {  	_ =	shalt  }
0x67: {  	_ =	shalt  }
0x68: {  	_ =	shalt  }
0x69: {  	_ =	shalt  }
0x6a: {  	_ =	shalt  }
0x6b: {  	_ =	shalt  }
0x6c: {  	_ =	shalt  }
0x6d: {  	_ =	shalt  }
0x6e: {  	_ =	shalt  }
0x6f: {  	_ =	shalt  }
0x70: {  	_ =	shalt  }
0x71: {  	_ =	shalt  }
0x72: {  	_ =	shalt  }
0x73: {  	_ =	shalt  }
0x74: {  	_ =	shalt  }
0x75: {  	_ =	shalt  }
0x76: {  	_ =	shalt  }
0x77: {  	_ =	shalt  }
0x78: {  	_ =	shalt  }
0x79: {  	_ =	shalt  }
0x7a: {  	_ =	shalt  }
0x7b: {  	_ =	shalt  }
0x7c: {  	_ =	shalt  }
0x7d: {  	_ =	shalt  }
0x7e: {  	_ =	shalt  }
0x7f: {  	_ =	shalt  }
0x80: {  	_ =	shalt  }
0x81: {  	_ =	shalt  }
0x82: {  	_ =	shalt  }
0x83: {  	_ =	shalt  }
0x84: {  	_ =	shalt  }
0x85: {  	_ =	shalt  }
0x86: {  	_ =	shalt  }
0x87: {  	_ =	shalt  }
.Lfunc_end0:
.L_simem_size_0:
called_computation_lowered:
.L_overlay_start_0:
0x88: {  	s2 =	sld [smem:$0x3FD9]  }
0x89: {  	s3 =	sld [smem:$0x3FFE];
	_ =	sdelay $0x1  }
0x8a: {  	s1 =	srdreg.scid  }
0x8b: {  	s0 =	sand.u32 $0x1, s1  }
0x8c: {  	s14 =	sshll.u32 s0, $0xA;
	s2 =	sadd.s32 s3, s2  }
0x8d: {  	s2 =	sadd.s32 s2, s14  }
0x8e: {  	[smem:$0x3FC4] =	sst s2  }
0x8f: {  	_ = 	snop  }
0x90: {  	s2 =	sld [smem:$0x3FC9]  }
0x91: {  	s15 =	sld [smem:$0x3FD0]  }
0x92: {  	s4 =	sld [smem:$0x3FC8]  }
0x93: {  	s5 =	sld [smem:$0x3FC7]  }
0x94: {  	s7 =	simm.s32 $0xA;
	s8 =	simm.s32 $0x10;
	s6 =	sld [smem:$0x3FC6]  }
0x95: {  	[smem:s8], [sflag:s7] =	dma.local [hbm:s15], $0x1  }
0x96: {  	_ =	swait.eq [sflag:s7], $0x1  }
0x97: {  	[sflag:s7] =	ssyncset.done $0x0  }
0x98: {  	s16 =	sld [smem:$0x10];
	[sflag:s7] =	ssyncadd.s32 $0xFFFFFFFF  }
0x99: {  	s17 =	sld [smem:$0x11];
	(tm) =	ssettm $0x1  }
0x9a: {  	s18 =	sld [smem:$0x3FFB];
	_ =	sdelay $0x3  }
0x9b: {  	_ =	strace s18  }
0x9c: {  	s8 =	sld [smem:$0x3FFC];
	_ =	sdelay $0x3  }
0x9d: {  	_ =	strace s8  }
0x9e: {  	s8 =	sld [smem:$0x3FFD];
	_ =	sdelay $0x3  }
0x9f: {  	_ =	strace s8  }
0xa0: {  	_ =	strace $0x8FFFFFFF  }
0xa1: {  	s19 =	sld [smem:$0x3FDB];
	_ =	sdelay $0x1  }
0xa2: {  	s9 =	simm.s32 $_scs_section_size  }
0xa3: {  	s10 =	simm.s32 $_size__tile_overlayer_lowered;
	s11 =	simm.s32 $_tile_overlayer_lowered  }
0xa4: {  	s22 =	simm.s32 $0x1BFF;
	s21 =	sshll.u32 s11, $0x1;
	s8 =	sadd.s32 s9, s19  }
0xa5: {  	s12 =	simm.s32 $0x0;
	s20 =	sshll.u32 s10, $0x1;
	s10 =	sadd.s32 s21, s8  }
0xa6: {  	[timem:s12], [sflag:s22] =	dma.local [hbm:s10], s20  }
0xa7: {  	_ =	swait.ge [sflag:s22], s20  }
0xa8: {  	s9 =	ssub.s32 $0x0, s20;
	[sflag:s22] =	ssyncset.done $0x0  }
0xa9: {  	[sflag:s22] =	ssyncadd.s32 s9;
	_ =	sdelay $0x1  }
0xaa: {  	s23 =	simm.s32 $0x1B8B  }
0xab: {  	_ =	swait.ge [sflag:s23], $0x1  }
0xac: {  	[sflag:s23] =	ssyncset.done $0x0  }
0xad: {  	s25 =	simm.s32 $0x1B8E;
	s24 =	sld [smem:$0x3FFE];
	[sflag:s23] =	ssyncadd.s32 $0xFFFFFFFF  }
0xae: {  	s26 =	simm.s32 $execute0_lowered;
	[smem:$0x3FD2] =	sst s25  }
0xaf: {  	s10 =	sshll.u32 s26, $0x1;
	_ =	strace $0x80000046;
	[dreg:$0x1] =	wrdreg $0xFFFFFFFF  }
0xb0: {  	s28 =	simm.s32 $_size_execute0_lowered;
	s8 =	sadd.s32 s8, s10;
	[dreg:$0x0] =	wrdreg $0x0  }
0xb1: {  	s10 =	sshll.u32 s28, $0x1;
	[dreg:$0x2] =	wrdreg s8  }
0xb2: {  	[dreg:$0x3] =	wrdreg s10  }
0xb3: {  	[dreg:$0x4] =	wrdreg $0xC0  }
0xb4: {  	_ =	task [dreg:s12], $0x5FFFF  }
0xb5: {  	[dreg:$0x1] =	wrdreg $0xFFFFFFFF  }
0xb6: {  	[dreg:$0x0] =	wrdreg $0x60  }
0xb7: {  	[dreg:$0x2] =	wrdreg s2  }
0xb8: {  	[dreg:$0x3] =	wrdreg s4  }
0xb9: {  	[dreg:$0x4] =	wrdreg s5  }
0xba: {  	[dreg:$0x5] =	wrdreg s6  }
0xbb: {  	[dreg:$0x6] =	wrdreg s16  }
0xbc: {  	[dreg:$0x7] =	wrdreg s24  }
0xbd: {  	[dreg:$0x8] =	wrdreg s17  }
0xbe: {  	[dreg:$0x9] =	wrdreg $0x9  }
0xbf: {  	_ =	task.clear_ibuf [dreg:s12], $0xAFFFF;
	_ =	strace $0x90000046  }
0xc0: {  	s29 =	simm.s32 $0x9;
	_ =	strace $0x80000048  }
0xc1: {  	_ =	swait.ge [sflag:s29], $0x1  }
0xc2: {  	[sflag:s29] =	ssyncadd.s32 $0xFFFFFFFF  }
0xc3: {  	_ =	strace $0x90000048  }
0xc4: {  	_ =	sfence  }
0xc5: {  	s30 =	sld [smem:$0x0];
	_ =	sdelay $0x2  }
0xc6: {  	s31 =	sshll.u32 s1, $0xD;
	s1 =	sshrl.u32 s1, $0x2  }
0xc7: {  	s3 =	sand.u32 $0x4000, s31;
	s1 =	sadd.s32 s1, s30  }
0xc8: {  	s0 =	sor.u32 s3, s0;
	s1 =	sshll.u32 s1, $0x11  }
0xc9: {  	s0 =	sor.u32 s1, s0  }
0xca: {  	s0 =	sadd.s32 $0x8F2B, s0  }
0xcb: {  	[sflag:s0] =	ssyncadd.remote.s32 $0x1  }
0xcc: {  	_ =	sfence.sel $0xFFFF  }
0xcd: {  	[dreg:$0x0] =	wrdreg $0xFFFFFFFF;
	(pc) =	sbr.abs _section_cstart, $3  }
0xce: {  	[dreg:$0x1] =	wrdreg $0xFFFFFFFF  }
0xcf: {  	_ =	task.clear_ibuf [dreg:s12], $0x2FFFF;
	_ =	strace $0x9FFFFFFF  }
0xd0: {  	(tm) =	ssettm $0x7FFFFFFF  }
0xd1: {  	_ =	shalt  }
tec
execute0_lowered:
.L_overlay_start_1:
0x0: {  	(tag) =	ssettag $0x1  }
0x1: {  	s0 =	rddreg [dreg:$0x5]  }
0x2: {  	s7 =	simm.s32 $0x0;
	s1 =	srdreg.scid;
	s3 =	stileid.u32  }
0x3: {  	s16 =	simm.s32 $0x1;
	s20 =	simm.s32 $0x100;
	s21 =	simm.s32 $0x200  }
0x4: {  	s28 =	simm.s32 $0x18700;
	s29 =	simm.s32 $0x18780;
	s30 =	simm.s32 $0x18800  }
0x5: {  	s31 =	simm.s32 $0x18880;
	[smem:$0x7FF] =	sst s7;
	s2 =	sadd.s32 $0xC00, s0  }
0x6: {  	s22 =	sadd.s32 $0xA00, s0;
	_ =	strace $0x80000047;
	[dreg:$0xd] =	wrdreg s2  }
0x7: {  	s1 =	sand.u32 $0x1, s1;
	s23 =	sadd.s32 $0x800, s0;
	[dreg:$0xe] =	wrdreg s22  }
0x8: {  	s0 =	sadd.s32 $0xE00, s0;
	s26 =	sshll.u32 s3, $0x4;
	[dreg:$0xf] =	wrdreg s23  }
.Ltmp0:
0x9: {  	s24 =	ssub.s32 $0x2, s1;
	[dreg:$0x10] =	wrdreg s0;
	(pc) =	sbr.rel .LBB2_1-.Ltmp0, $4  }
0xa: {  	s1 =	sshll.u32 s1, $0x3;
	s22 =	simm.s32 $0x300;
	s25 =	sshrl.u32 s24, $0x1  }
0xb: {  	s23 =	simm.s32 $0x10600;
	s13 =	sor.u32 s1, s26;
	s0 =	ssub.s32 s24, s25  }
0xc: {  	s26 =	simm.s32 $0x18680;
	s1 =	simm.s32 $0x0;
	s0 =	smax.u32 s0, $0x1  }
0xd: {  	v0 =	vimm.f32 $0.0e+00;
	v1 =	vlaneseq.u32;
	v2 =	vimm.s32 $0x0;
	s24 =	simm.s32 $0x14600;
	s25 =	simm.s32 $0x18600;
	[dreg:$0x11] =	wrdreg s0  }
.LBB2_25:
0xe: {  	s1 =	rddreg [dreg:$0x12]  }
0xf: {  	s0 =	rddreg [dreg:$0x11];
	s1 =	sadd.s32 $0x1, s1  }
0x10: {  	p0 =	sne.s32 s1, s0  }
.Ltmp1:
0x11: {  	_ = 	snop;
	(pc) =	sbr.rel @!p0 .LBB2_26-.Ltmp1, $1  }
0x12: {  	_ =	sdelay $0x3  }
.LBB2_1:
0x13: {  	[dreg:$0x12] =	wrdreg s1  }
0x14: {  	s0 =	rddreg [dreg:$0x4];
	s11 =	simm.s32 $0x400  }
0x15: {  	[tilespmem:s11], [sflag:$0x1] =	stream.linear.gather [hbm4b:s0+s7], $0x80, $0x38;
	[tilespmem:$0x18900] =	vst v63  }
0x16: {  	_ =	swait.ge [sflag:s16], $0x80  }
0x17: {  	[sflag:s16] =	ssyncset.done $0x0  }
0x18: {  	s14 =	simm.s32 $0x480;
	s12 =	rddreg [dreg:$0xd];
	[sflag:s16] =	ssyncadd.s32 $0xFFFFFF80  }
0x19: {  	[tilespmem:s14], [sflag:$0x1] =	stream.linear.gather [hbm4b:s12+s7], $0x80, $0x38;
	[tilespmem:$0x18900] =	vst v63  }
0x1a: {  	_ =	swait.ge [sflag:s16], $0x80  }
0x1b: {  	[sflag:s16] =	ssyncset.done $0x0  }
0x1c: {  	s17 =	simm.s32 $0x500;
	s15 =	rddreg [dreg:$0xe];
	[sflag:s16] =	ssyncadd.s32 $0xFFFFFF80  }
0x1d: {  	[tilespmem:s17], [sflag:$0x1] =	stream.linear.gather [hbm4b:s15+s7], $0x80, $0x38;
	[tilespmem:$0x18900] =	vst v63  }
0x1e: {  	_ =	swait.ge [sflag:s16], $0x80  }
0x1f: {  	s19 =	simm.s32 $0x580;
	[sflag:s16] =	ssyncset.done $0x0  }
.Ltmp2:
0x20: {  	s18 =	rddreg [dreg:$0xf];
	[sflag:s16] =	ssyncadd.s32 $0xFFFFFF80;
	(pc) =	sbr.rel .LBB2_2-.Ltmp2, $4  }
0x21: {  	[tilespmem:s19], [sflag:$0x1] =	stream.linear.gather [hbm4b:s18+s7], $0x80, $0x38;
	[tilespmem:$0x18900] =	vst v63  }
0x22: {  	_ =	swait.ge [sflag:s16], $0x80  }
0x23: {  	[sflag:s16] =	ssyncset.done $0x0  }
0x24: {  	s15 =	simm.s32 $0x0;
	[sflag:s16] =	ssyncadd.s32 $0xFFFFFF80  }
.LBB2_24:
0x25: {  	s0 =	sshll.u32 s17, $0xB;
	s1 =	rddreg [dreg:$0x6]  }
0x26: {  	s14 =	simm.s32 $0x600;
	s17 =	smul.u32 $0x1800, s17;
	s0 =	sadd.s32 s1, s0  }
0x27: {  	[hbm4b:s0+s7] =	stream.linear.scatter [tilespmem:s14], [sflag:$0x1], $0x4000, $0x38;
	[tilespmem:$0x18900] =	vst v63  }
0x28: {  	s19 =	simm.s32 $0x4600;
	s15 =	sadd.s32 $0x1, s15;
	_ =	swait.ge [sflag:s16], $0x4000  }
0x29: {  	p0 =	sne.s32 s15, $0x8;
	[sflag:s16] =	ssyncset.done $0x0;
	s18 =	rddreg [dreg:$0x10]  }
.Ltmp3:
0x2a: {  	[sflag:s16] =	ssyncadd.s32 $0xFFFFC000;
	s0 =	sadd.s32 s18, s17;
	(pc) =	sbr.rel @!p0 .LBB2_25-.Ltmp3, $4  }
0x2b: {  	[hbm4b:s0+s7] =	stream.linear.scatter [tilespmem:s19], [sflag:$0x1], $0xC000, $0x38;
	[tilespmem:$0x18900] =	vst v63  }
0x2c: {  	_ =	swait.ge [sflag:s16], $0xC000  }
0x2d: {  	[sflag:s16] =	ssyncset.done $0x0  }
0x2e: {  	[sflag:s16] =	ssyncadd.s32 $0xFFFF4000  }
.LBB2_2:
0x2f: {  	s17 =	sadd.s32 s13, s15  }
0x30: {  	s1 =	rddreg [dreg:$0x0];
	s0 =	sshll.u32 s17, $0x4  }
0x31: {  	s5 =	simm.s32 $0x0;
	s2 =	sadd.s32 s1, s0  }
0x32: {  	[tilespmem:s5], [sflag:$0x1] =	stream.linear.gather [hbm4b:s2+s5], $0x80, $0x38;
	[tilespmem:$0x18900] =	vst v63  }
0x33: {  	_ =	swait.ge [sflag:s16], $0x80  }
0x34: {  	[sflag:s16] =	ssyncset.done $0x0  }
0x35: {  	[sflag:s16] =	ssyncadd.s32 $0xFFFFFF80  }
0x36: {  	s8 =	rddreg [dreg:$0x1]  }
0x37: {  	s9 =	sadd.s32 s8, s0  }
0x38: {  	[tilespmem:s20], [sflag:$0x1] =	stream.linear.gather [hbm4b:s9+s5], $0x80, $0x38;
	[tilespmem:$0x18900] =	vst v63  }
0x39: {  	_ =	swait.ge [sflag:s16], $0x80  }
0x3a: {  	[sflag:s16] =	ssyncset.done $0x0  }
0x3b: {  	[sflag:s16] =	ssyncadd.s32 $0xFFFFFF80  }
0x3c: {  	s10 =	rddreg [dreg:$0x2]  }
0x3d: {  	s11 =	sadd.s32 s10, s0  }
0x3e: {  	[tilespmem:s21], [sflag:$0x1] =	stream.linear.gather [hbm4b:s11+s5], $0x80, $0x38;
	[tilespmem:$0x18900] =	vst v63  }
0x3f: {  	_ =	swait.ge [sflag:s16], $0x80  }
0x40: {  	[sflag:s16] =	ssyncset.done $0x0  }
0x41: {  	[sflag:s16] =	ssyncadd.s32 $0xFFFFFF80  }
0x42: {  	s12 =	rddreg [dreg:$0x3]  }
0x43: {  	s0 =	sadd.s32 s12, s0  }
0x44: {  	[tilespmem:s22], [sflag:$0x1] =	stream.linear.gather [hbm4b:s0+s5], $0x80, $0x38;
	[tilespmem:$0x18900] =	vst v63  }
0x45: {  	_ =	swait.ge [sflag:s16], $0x80  }
0x46: {  	[sflag:s16] =	ssyncset.done $0x0  }
0x47: {  	s14 =	simm.s32 $0x620;
	s18 =	simm.s32 $0x0;
	[sflag:s16] =	ssyncadd.s32 $0xFFFFFF80  }
0x48: {  	s2 =	smul.u32 $0x3000, s18;
	[tilespmem:s14+$0xFFFFFFE0] =	vst v0  }
0x49: {  	[tilespmem:s14+$0xFFFFFFF0] =	vst v0  }
0x4a: {  	s3 =	sand.u32 $0x380, s5;
	s2 =	sshra.s32 s2, $0x2;
	[tilespmem:s14+$0x0] =	vst v0  }
0x4b: {  	s19 =	sor.u32 s3, s2;
	[tilespmem:s14+$0x10] =	vst v0  }
0x4c: {  	[tilespmem:s19+$0x4E30] =	vst v0  }
0x4d: {  	[tilespmem:s19+$0x4600] =	vst v0  }
0x4e: {  	[tilespmem:s19+$0x4A60] =	vst v0  }
0x4f: {  	[tilespmem:s19+$0x4E20] =	vst v0  }
0x50: {  	[tilespmem:s19+$0x4E10] =	vst v0  }
0x51: {  	[tilespmem:s19+$0x4E00] =	vst v0  }
0x52: {  	[tilespmem:s19+$0x4A70] =	vst v0  }
0x53: {  	[tilespmem:s19+$0x4A50] =	vst v0  }
0x54: {  	[tilespmem:s19+$0x4A40] =	vst v0  }
0x55: {  	[tilespmem:s19+$0x4A30] =	vst v0  }
0x56: {  	[tilespmem:s19+$0x4A20] =	vst v0  }
0x57: {  	[tilespmem:s19+$0x4A10] =	vst v0  }
0x58: {  	[tilespmem:s19+$0x4A00] =	vst v0  }
0x59: {  	[tilespmem:s19+$0x4670] =	vst v0  }
0x5a: {  	[tilespmem:s19+$0x4660] =	vst v0  }
0x5b: {  	[tilespmem:s19+$0x4650] =	vst v0  }
0x5c: {  	[tilespmem:s19+$0x4640] =	vst v0  }
0x5d: {  	[tilespmem:s19+$0x4630] =	vst v0  }
0x5e: {  	s4 =	simm.s32 $0x0;
	[tilespmem:s19+$0x4620] =	vst v0  }
0x5f: {  	s3 =	simm.s32 $0x2;
	s2 =	simm.s32 $0x0;
	s0 =	simm.s32 $0x6A0;
	[tilespmem:s19+$0x4610] =	vst v0  }
.LBB2_3:
0x60: {  	p0 =	sne.s32 s3, $0x7F;
	[tilespmem:s0+$0xFFFFFFE0] =	vst v0;
	s4 =	smul.u32 $0x3000, s4  }
0x61: {  	s2 =	sadd.s32 $0x80, s2;
	[tilespmem:s0+$0xFFFFFFF0] =	vst v0  }
0x62: {  	s8 =	sand.u32 $0x380, s2;
	[tilespmem:s0+$0x0] =	vst v0;
	s4 =	sshra.s32 s4, $0x2  }
0x63: {  	[tilespmem:s0+$0x10] =	vst v0;
	s8 =	sor.u32 s8, s4  }
0x64: {  	[tilespmem:s8+$0x4E30] =	vst v0  }
0x65: {  	[tilespmem:s8+$0x4600] =	vst v0  }
0x66: {  	[tilespmem:s8+$0x4A60] =	vst v0  }
0x67: {  	[tilespmem:s8+$0x4E20] =	vst v0  }
0x68: {  	[tilespmem:s8+$0x4E10] =	vst v0  }
0x69: {  	[tilespmem:s8+$0x4E00] =	vst v0  }
0x6a: {  	[tilespmem:s8+$0x4A70] =	vst v0  }
0x6b: {  	[tilespmem:s8+$0x4A50] =	vst v0  }
0x6c: {  	[tilespmem:s8+$0x4A40] =	vst v0  }
0x6d: {  	[tilespmem:s8+$0x4A30] =	vst v0  }
0x6e: {  	[tilespmem:s8+$0x4A20] =	vst v0  }
0x6f: {  	[tilespmem:s8+$0x4A10] =	vst v0  }
0x70: {  	[tilespmem:s8+$0x4A00] =	vst v0  }
0x71: {  	[tilespmem:s8+$0x4670] =	vst v0  }
0x72: {  	[tilespmem:s8+$0x4660] =	vst v0  }
.Ltmp4:
0x73: {  	[tilespmem:s8+$0x4650] =	vst v0;
	(pc) =	sbr.rel @p0 .LBB2_3-.Ltmp4, $4  }
0x74: {  	[tilespmem:s8+$0x4640] =	vst v0  }
0x75: {  	[tilespmem:s8+$0x4630] =	vst v0  }
0x76: {  	[tilespmem:s8+$0x4620] =	vst v0  }
0x77: {  	s4 =	sshrl.u32 s3, $0x3;
	s3 =	sadd.s32 $0x1, s3;
	s0 =	sadd.s32 $0x80, s0;
	[tilespmem:s8+$0x4610] =	vst v0  }
0x78: {  	[tilespmem:s0+$0xFFFFFFE0] =	vst v0;
	s3 =	smul.u32 $0x3000, s4  }
0x79: {  	[tilespmem:s0+$0xFFFFFFF0] =	vst v0;
	s2 =	sadd.s32 $0x80, s2  }
0x7a: {  	[tilespmem:s0+$0x0] =	vst v0;
	s2 =	sand.u32 $0x380, s2;
	s3 =	sshra.s32 s3, $0x2  }
0x7b: {  	[tilespmem:s0+$0x10] =	vst v0;
	s19 =	sor.u32 s2, s3  }
0x7c: {  	[tilespmem:s19+$0x4E30] =	vst v0  }
0x7d: {  	[tilespmem:s19+$0x4600] =	vst v0  }
0x7e: {  	[tilespmem:s19+$0x4A60] =	vst v0  }
0x7f: {  	[tilespmem:s19+$0x4E20] =	vst v0  }
0x80: {  	[tilespmem:s19+$0x4E10] =	vst v0  }
0x81: {  	[tilespmem:s19+$0x4E00] =	vst v0  }
0x82: {  	[tilespmem:s19+$0x4A70] =	vst v0  }
0x83: {  	[tilespmem:s19+$0x4A50] =	vst v0  }
0x84: {  	[tilespmem:s19+$0x4A40] =	vst v0  }
0x85: {  	[tilespmem:s19+$0x4A30] =	vst v0  }
0x86: {  	[tilespmem:s19+$0x4A20] =	vst v0  }
0x87: {  	[tilespmem:s19+$0x4A10] =	vst v0  }
0x88: {  	[tilespmem:s19+$0x4A00] =	vst v0  }
0x89: {  	[tilespmem:s19+$0x4670] =	vst v0  }
0x8a: {  	[tilespmem:s19+$0x4660] =	vst v0  }
0x8b: {  	[tilespmem:s19+$0x4650] =	vst v0  }
0x8c: {  	[tilespmem:s19+$0x4640] =	vst v0  }
0x8d: {  	[tilespmem:s19+$0x4630] =	vst v0  }
0x8e: {  	[tilespmem:s19+$0x4620] =	vst v0  }
0x8f: {  	[tilespmem:s19+$0x4610] =	vst v0  }
.LBB2_5:
0x90: {  	v3 =	vld.msk [tilespmem:s5+$0x0 ss:$0x0], $0xffff  }
0x91: {  	v4 =	vld.msk [tilespmem:s5+$0x100 ss:$0x0], $0xffff;
	s2 =	simm.s32 $0x100  }
0x92: {  	s0 =	simm.s32 $0x0;
	v5 =	vld [tilespmem:s2+$0x0]  }
0x93: {  	v7 =	vld [tilespmem:s0+$0x0]  }
0x94: {  	v6 =	vld.msk [tilespmem:s5+$0x200 ss:$0x0], $0xffff;
	s8 =	simm.s32 $0x200  }
0x95: {  	v8 =	vld [tilespmem:s8+$0x0];
	_ =	sdelay $0x2  }
0x96: {  	v7 =	vsub.f32 v3, v7;
	v5 =	vsub.f32 v4, v5;
	_ =	sdelay $0x1  }
0x97: {  	v8 =	vsub.f32 v6, v8;
	v7 =	vmul.f32 v7, v7;
	v5 =	vmul.f32 v5, v5;
	_ =	sdelay $0x1  }
0x98: {  	v5 =	vadd.f32 v5, v7;
	v7 =	vmul.f32 v8, v8;
	_ =	sdelay $0x1  }
0x99: {  	v10 =	vadd.f32 v7, v5;
	_ =	sdelay $0x1  }
0x9a: {  	v5 =	vmax.f32 v10, $9.999999960e-13  }
0x9b: {  	v7 =	vshra.s32 v5, $0x1;
	v5 =	vmul.f32 $5.000000000e-01, v5  }
0x9c: {  	v9 =	vsub.s32 $0x5F3759DF, v7  }
0x9d: {  	v7 =	vmul.f32 v9, v5;
	_ =	sdelay $0x1  }
0x9e: {  	v7 =	vmul.f32 v9, v7;
	_ =	sdelay $0x1  }
0x9f: {  	v11 =	vsub.f32 $1.500000000e+00, v7;
	_ =	sdelay $0x1  }
0xa0: {  	v9 =	vmul.f32 v9, v11  }
0xa1: {  	v8 =	vor.u32 s0, v1;
	v7 =	vmov s5  }
0xa2: {  	vm0 =	vle.f32 v10, $2.704000090e+01;
	vm1 =	vne.s32 v8, v7;
	v11 =	vmul.f32 v9, v5  }
0xa3: {  	vm0 =	vmand vm1, vm0  }
0xa4: {  	v12 =	vsel vm0, $0x1, v2;
	v11 =	vmul.f32 v11, v9  }
0xa5: {  	(xrf0) =	vadd.scan.msk.s32 $0xffff, v12  }
0xa6: {  	v11 =	vsub.f32 $1.500000000e+00, v11;
	_ =	sdelay $0x1  }
0xa7: {  	v9 =	vmul.f32 v11, v9;
	v11 =	vmov s0  }
0xa8: {  	v11 =	vadd.s32 $0xFFFFFFFF, v11  }
0xa9: {  	v5 =	vmul.f32 v9, v5;
	v11 =	vbroadcast v11, $0x0  }
0xaa: {  	v12, _, _ =	vpop (xrf0)  }
0xab: {  	v13 =	vxor.u32 $0x80000000, v12;
	v5 =	vmul.f32 v5, v9;
	v11 =	vadd.s32 v12, v11  }
0xac: {  	(xrf0) =	vmax.scan.msk.u32 $0xffff, v13;
	vm1 =	vlt.s32 v11, $0x1F  }
0xad: {  	v61 =	vsub.f32 $1.500000000e+00, v5;
	v11 =	vnsel vm1, $0x1F, v11  }
0xae: {  	v5 =	vshll.u32 v7, $0x7;
	v62 =	vand.u32 $0xFFFFFF80, v11  }
0xaf: {  	v12 =	vmul.f32 v61, v9;
	v9 =	vand.u32 $0x7F, v11;
	v11 =	vadd.s32 v5, v62  }
0xb0: {  	v9 =	vor.u32 v9, v11;
	_ =	sdelay $0x1  }
0xb1: {  	v63, _, _ =	vpop (xrf0)  }
0xb2: {  	s11 =	simm.s32 $0x10;
	s3 =	simm.s32 $0x20;
	s10 =	simm.s32 $0x0;
	(v2sf) =	vpush v63, $0xF;
	v10 =	vmul.f32 v12, v10  }
.LBB2_6:
0xb3: {  	p0 =	sne.s32 s3, $0x70  }
0xb4: {  	[tilespmem:v9+s23+$0x0] =	vst.idx.msk vm0, v10  }
0xb5: {  	s2 =	sadd.s32 $0x10, s2;
	[tilespmem:v9+s24+$0x0] =	vst.idx.msk vm0, v8  }
0xb6: {  	s0 =	sadd.s32 $0x10, s0;
	v8 =	vld [tilespmem:s2+$0x0]  }
0xb7: {  	v9 =	vld [tilespmem:s0+$0x0]  }
0xb8: {  	s8 =	sadd.s32 $0x10, s8  }
0xb9: {  	v10 =	vld [tilespmem:s8+$0x0];
	_ =	sdelay $0x2  }
0xba: {  	v8 =	vsub.f32 v4, v8;
	v9 =	vsub.f32 v3, v9;
	_ =	sdelay $0x1  }
0xbb: {  	v8 =	vmul.f32 v8, v8;
	v10 =	vsub.f32 v6, v10;
	v9 =	vmul.f32 v9, v9;
	_ =	sdelay $0x1  }
0xbc: {  	v8 =	vadd.f32 v8, v9;
	v9 =	vmul.f32 v10, v10  }
0xbd: {  	s4 =	spop (v2sf)  }
0xbe: {  	v10 =	vadd.f32 v9, v8;
	s4 =	sadd.s32 s4, s10  }
0xbf: {  	s10 =	sadd.s32 $0x80000000, s4  }
0xc0: {  	v8 =	vmax.f32 v10, $9.999999960e-13  }
0xc1: {  	v9 =	vshra.s32 v8, $0x1;
	v11 =	vmul.f32 $5.000000000e-01, v8  }
0xc2: {  	v9 =	vsub.s32 $0x5F3759DF, v9  }
0xc3: {  	v8 =	vmul.f32 v9, v11;
	_ =	sdelay $0x1  }
0xc4: {  	v8 =	vmul.f32 v9, v8;
	_ =	sdelay $0x1  }
0xc5: {  	v12 =	vsub.f32 $1.500000000e+00, v8  }
0xc6: {  	v8 =	vor.u32 s11, v1;
	s11 =	smov.u32 s3  }
0xc7: {  	vm0 =	vle.f32 v10, $2.704000090e+01;
	vm1 =	vne.s32 v8, v7;
	v9 =	vmul.f32 v9, v12  }
0xc8: {  	vm0 =	vmand vm1, vm0  }
0xc9: {  	v13 =	vsel vm0, $0x1, v2;
	v12 =	vmul.f32 v9, v11  }
0xca: {  	(xrf0) =	vadd.scan.msk.s32 $0xffff, v13  }
0xcb: {  	v12 =	vmul.f32 v12, v9;
	_ =	sdelay $0x1  }
0xcc: {  	v13 =	vmov s10;
	v12 =	vsub.f32 $1.500000000e+00, v12  }
0xcd: {  	v14 =	vadd.s32 $0xFFFFFFFF, v13  }
0xce: {  	v12 =	vmul.f32 v12, v9;
	v9 =	vbroadcast v14, $0x0  }
0xcf: {  	v13, _, _ =	vpop (xrf0)  }
0xd0: {  	v11 =	vmul.f32 v12, v11;
	v9 =	vadd.s32 v13, v9;
	v13 =	vxor.u32 $0x80000000, v13  }
0xd1: {  	vm1 =	vlt.s32 v9, $0x1F;
	(xrf0) =	vmax.scan.msk.u32 $0xffff, v13  }
0xd2: {  	v11 =	vmul.f32 v11, v12;
	v9 =	vnsel vm1, $0x1F, v9  }
0xd3: {  	v13 =	vand.u32 $0xFFFFFF80, v9  }
.Ltmp5:
0xd4: {  	v9 =	vand.u32 $0x7F, v9;
	v11 =	vsub.f32 $1.500000000e+00, v11;
	v13 =	vadd.s32 v5, v13;
	(pc) =	sbr.rel @p0 .LBB2_6-.Ltmp5, $4  }
0xd5: {  	v9 =	vor.u32 v9, v13  }
0xd6: {  	v11 =	vmul.f32 v11, v12  }
0xd7: {  	v12, _, _ =	vpop (xrf0)  }
0xd8: {  	s3 =	sadd.s32 $0x10, s3;
	v10 =	vmul.f32 v11, v10;
	(v2sf) =	vpush v12, $0xF  }
0xd9: {  	_ =	sdelay $0x4  }
0xda: {  	[tilespmem:v9+s23+$0x0] =	vst.idx.msk vm0, v10  }
0xdb: {  	s2 =	sadd.s32 $0x10, s2;
	[tilespmem:v9+s24+$0x0] =	vst.idx.msk vm0, v8  }
0xdc: {  	s0 =	sadd.s32 $0x10, s0;
	v8 =	vld [tilespmem:s2+$0x0]  }
0xdd: {  	v9 =	vld [tilespmem:s0+$0x0]  }
0xde: {  	s14 =	sadd.s32 $0x10, s8  }
0xdf: {  	v10 =	vld [tilespmem:s14+$0x0];
	_ =	sdelay $0x2  }
0xe0: {  	v3 =	vsub.f32 v3, v9;
	v4 =	vsub.f32 v4, v8;
	_ =	sdelay $0x1  }
0xe1: {  	v6 =	vsub.f32 v6, v10;
	v3 =	vmul.f32 v3, v3;
	v4 =	vmul.f32 v4, v4;
	_ =	sdelay $0x1  }
0xe2: {  	v52 =	vmul.f32 v6, v6;
	v3 =	vadd.f32 v4, v3;
	_ =	sdelay $0x1  }
0xe3: {  	v3 =	vadd.f32 v52, v3  }
0xe4: {  	v53 =	vor.u32 s11, v1  }
0xe5: {  	vm1 =	vne.s32 v53, v7;
	vm14 =	vle.f32 v3, $2.704000090e+01  }
0xe6: {  	vm0 =	vmand vm1, vm14  }
0xe7: {  	v54 =	vsel vm0, $0x1, v2  }
0xe8: {  	(xrf0) =	vadd.scan.msk.s32 $0xffff, v54;
	_ =	sdelay $0x5  }
0xe9: {  	v6, _, _ =	vpop (xrf0)  }
0xea: {  	v55 =	vxor.u32 $0x80000000, v6  }
0xeb: {  	(xrf0) =	vmax.scan.msk.u32 $0xffff, v55;
	_ =	sdelay $0x2  }
0xec: {  	v56 =	vmax.f32 v3, $9.999999960e-13  }
0xed: {  	v57 =	vshra.s32 v56, $0x1;
	v8 =	vmul.f32 $5.000000000e-01, v56  }
0xee: {  	v7 =	vsub.s32 $0x5F3759DF, v57  }
0xef: {  	v58 =	vmul.f32 v7, v8;
	v59, _, _ =	vpop (xrf0)  }
0xf0: {  	(v2sf) =	vpush v59, $0xF  }
0xf1: {  	v9 =	vmul.f32 v7, v58;
	_ =	sdelay $0x1  }
0xf2: {  	v9 =	vsub.f32 $1.500000000e+00, v9;
	_ =	sdelay $0x1  }
0xf3: {  	v7 =	vmul.f32 v7, v9;
	_ =	sdelay $0x1  }
0xf4: {  	v9 =	vmul.f32 v7, v8  }
0xf5: {  	s18 =	spop (v2sf)  }
0xf6: {  	s0 =	sadd.s32 s18, s10;
	v9 =	vmul.f32 v9, v7  }
0xf7: {  	s0 =	sadd.s32 $0x80000000, s0  }
0xf8: {  	v60 =	vmov s0;
	v9 =	vsub.f32 $1.500000000e+00, v9  }
0xf9: {  	v10 =	vadd.s32 $0xFFFFFFFF, v60  }
0xfa: {  	v61 =	vbroadcast v10, $0x0;
	v7 =	vmul.f32 v9, v7;
	_ =	sdelay $0x1  }
0xfb: {  	v6 =	vadd.s32 v6, v61;
	v8 =	vmul.f32 v7, v8;
	s19 =	spop (v2sf)  }
0xfc: {  	vm15 =	vlt.s32 v6, $0x1F;
	s0 =	sadd.s32 s19, s0  }
0xfd: {  	v6 =	vnsel vm15, $0x1F, v6;
	v8 =	vmul.f32 v8, v7;
	s0 =	sadd.s32 $0x80000000, s0  }
0xfe: {  	v62 =	vand.u32 $0xFFFFFF80, v6;
	p0 =	slt.s32 s0, $0x20  }
0xff: {  	v6 =	vand.u32 $0x7F, v6;
	v5 =	vadd.s32 v5, v62;
	v8 =	vsub.f32 $1.500000000e+00, v8;
	s0 =	simm.s32 @!p0 $0x20  }
0x100: {  	v5 =	vor.u32 v6, v5;
	[smem:s5] =	sst s0;
	s5 =	sadd.s32 $0x1, s5  }
0x101: {  	v63 =	vmul.f32 v8, v7;
	p0 =	sne.s32 s5, $0x80  }
.Ltmp6:
0x102: {  	_ = 	snop;
	(pc) =	sbr.rel @p0 .LBB2_5-.Ltmp6, $3  }
0x103: {  	v3 =	vmul.f32 v63, v3;
	_ =	sdelay $0x1  }
0x104: {  	[tilespmem:v5+s23+$0x0] =	vst.idx.msk vm0, v3  }
0x105: {  	[tilespmem:v5+s24+$0x0] =	vst.idx.msk vm0, v53  }
.Ltmp7:
0x106: {  	(pc) =	sbr.rel .LBB2_9-.Ltmp7, $2  }
0x107: {  	_ =	sdelay $0x2  }
0x108: {  	s0 =	simm.s32 $0x0  }
.LBB2_12:
0x109: {  	v3 =	vadd.f32 v4, v3;
	_ =	sdelay $0x1  }
0x10a: {  	[tilespmem:s8+$0x0] =	vst v3  }
.LBB2_13:
0x10b: {  	s0 =	sadd.s32 $0x1, s0  }
0x10c: {  	p0 =	sne.s32 s0, $0x80  }
.Ltmp8:
0x10d: {  	_ = 	snop;
	(pc) =	sbr.rel @!p0 .LBB2_14-.Ltmp8, $2  }
0x10e: {  	_ =	sdelay $0x2  }
0x10f: {  	s18 =	simm.s32 $0x0  }
.LBB2_9:
0x110: {  	s2 =	sld [smem:s0+$0x0];
	_ =	sdelay $0x2  }
0x111: {  	p0 =	slt.s32 s2, $0x1  }
.Ltmp9:
0x112: {  	_ = 	snop;
	(pc) =	sbr.rel @p0 .LBB2_13-.Ltmp9, $1  }
0x113: {  	_ =	sdelay $0x3  }
0x114: {  	s3 =	simm.s32 $0x0  }
0x115: {  	s5 =	sshll.u32 s0, $0x7;
	s4 =	sand.u32 $0x7FFFFF80, s3  }
0x116: {  	s3 =	sand.u32 $0x7F, s3;
	s4 =	sadd.s32 s5, s4  }
0x117: {  	s3 =	sor.u32 s3, s4  }
0x118: {  	v3 =	vld [tilespmem:s3+$0x14600];
	_ =	sdelay $0x4  }
0x119: {  	(v2sf) =	vpush v3, $0x0;
	_ =	sdelay $0x9  }
0x11a: {  	v3 =	vld.msk [tilespmem:s3+$0x10600 ss:$0x0], $0xffff;
	_ =	sdelay $0x4  }
0x11b: {  	v4 =	vmul.f32 $3.020762210e-01, v3;
	s14 =	spop (v2sf)  }
0x11c: {  	v5 =	vld [tilespmem:s14+$0x300]  }
0x11d: {  	v4 =	vmul.f32 v4, v4;
	_ =	sdelay $0x1  }
0x11e: {  	v6 =	vmul.f32 $-2.611502340e-07, v4;
	_ =	sdelay $0x1  }
0x11f: {  	v7 =	vld [tilespmem:$0x400];
	v6 =	vadd.f32 $2.476377090e-05, v6;
	(v2sf) =	vpush v5, $0x0;
	_ =	sdelay $0x1  }
0x120: {  	v5 =	vmul.f32 v6, v4;
	_ =	sdelay $0x1  }
0x121: {  	v5 =	vadd.f32 $-1.388843290e-03, v5  }
0x122: {  	v3 =	vsub.f32 v3, v7  }
0x123: {  	v5 =	vmul.f32 v5, v4  }
0x124: {  	v3 =	vmul.f32 v3, v3  }
0x125: {  	v5 =	vadd.f32 $4.166664180e-02, v5  }
0x126: {  	v3 =	vmul.f32 $-1.600000000e+01, v3  }
0x127: {  	v5 =	vmul.f32 v5, v4  }
0x128: {  	v3 =	vmul.f32 $1.442695020e+00, v3  }
0x129: {  	v5 =	vadd.f32 $-5.000000000e-01, v5  }
0x12a: {  	(erf) = vpow2.f32 v3  }
0x12b: {  	v3 =	vmul.f32 v5, v4  }
0x12c: {  	s18 =	spop (v2sf)  }
0x12d: {  	v3 =	vadd.f32 $1.000000000e+00, v3;
	s19 =	sshll.u32 s18, $0x4  }
0x12e: {  	s3 =	sadd.s32 $0x600, s5;
	s8 =	sand.u32 $0xFFFFFF80, s19  }
0x12f: {  	v3 =	vmul.f32 v3, v3;
	s4 =	sand.u32 $0x70, s19;
	s8 =	sadd.s32 s8, s3  }
0x130: {  	p0 =	sne.s32 s2, $0x1;
	s8 =	sadd.s32 s4, s8  }
.Ltmp10:
0x131: {  	v4 =	vmul.f32 $2.500000000e-01, v3;
	v3 =	vld [tilespmem:s8+$0x0];
	(pc) =	sbr.rel @!p0 .LBB2_12-.Ltmp10, $4  }
0x132: {  	_ = 	snop  }
0x133: {  	v5 =	vpop (erf)  }
0x134: {  	v4 =	vmul.f32 v4, v5  }
0x135: {  	s4 =	simm.s32 $0x1  }
.LBB2_11:
0x136: {  	s10 =	sand.u32 $0x7FFFFF80, s4;
	v3 =	vadd.f32 v4, v3;
	s11 =	smov.u32 s4;
	s4 =	sadd.s32 $0x1, s4  }
0x137: {  	s11 =	sand.u32 $0x7F, s11;
	s10 =	sadd.s32 s5, s10;
	p0 =	sne.s32 s2, s4  }
0x138: {  	s10 =	sor.u32 s11, s10;
	[tilespmem:s8+$0x0] =	vst v3  }
0x139: {  	v3 =	vld [tilespmem:s10+$0x14600];
	_ =	sdelay $0x4  }
0x13a: {  	(v2sf) =	vpush v3, $0x0;
	_ =	sdelay $0x9  }
0x13b: {  	v3 =	vld.msk [tilespmem:s10+$0x10600 ss:$0x0], $0xffff;
	_ =	sdelay $0x4  }
0x13c: {  	s8 =	spop (v2sf)  }
0x13d: {  	v4 =	vmul.f32 $3.020762210e-01, v3;
	v5 =	vld [tilespmem:s8+$0x300];
	_ =	sdelay $0x1  }
0x13e: {  	v4 =	vmul.f32 v4, v4;
	_ =	sdelay $0x1  }
0x13f: {  	v6 =	vmul.f32 $-2.611502340e-07, v4  }
0x140: {  	v7 =	vld [tilespmem:$0x400];
	(v2sf) =	vpush v5, $0x0  }
0x141: {  	v5 =	vadd.f32 $2.476377090e-05, v6;
	_ =	sdelay $0x1  }
0x142: {  	v5 =	vmul.f32 v5, v4;
	_ =	sdelay $0x1  }
0x143: {  	v5 =	vadd.f32 $-1.388843290e-03, v5;
	v3 =	vsub.f32 v3, v7;
	_ =	sdelay $0x1  }
0x144: {  	v5 =	vmul.f32 v5, v4;
	v3 =	vmul.f32 v3, v3;
	_ =	sdelay $0x1  }
0x145: {  	v5 =	vadd.f32 $4.166664180e-02, v5;
	v3 =	vmul.f32 $-1.600000000e+01, v3;
	_ =	sdelay $0x1  }
0x146: {  	v5 =	vmul.f32 v5, v4;
	v3 =	vmul.f32 $1.442695020e+00, v3;
	_ =	sdelay $0x1  }
0x147: {  	v5 =	vadd.f32 $-5.000000000e-01, v5;
	(erf) = vpow2.f32 v3;
	_ =	sdelay $0x1  }
0x148: {  	v3 =	vmul.f32 v5, v4;
	s8 =	spop (v2sf)  }
0x149: {  	s8 =	sshll.u32 s8, $0x4  }
0x14a: {  	v3 =	vadd.f32 $1.000000000e+00, v3;
	s10 =	sand.u32 $0xFFFFFF80, s8  }
0x14b: {  	s8 =	sand.u32 $0x70, s8;
	s10 =	sadd.s32 s10, s3  }
.Ltmp11:
0x14c: {  	v4 =	vmul.f32 v3, v3;
	s8 =	sadd.s32 s8, s10;
	(pc) =	sbr.rel @p0 .LBB2_11-.Ltmp11, $4  }
0x14d: {  	v3 =	vld [tilespmem:s8+$0x0]  }
0x14e: {  	v4 =	vmul.f32 $2.500000000e-01, v4  }
0x14f: {  	v5 =	vpop (erf)  }
0x150: {  	v4 =	vmul.f32 v4, v5  }
.Ltmp12:
0x151: {  	_ = 	snop;
	(pc) =	sbr.rel .LBB2_12-.Ltmp12, $1  }
0x152: {  	_ =	sdelay $0x3  }
.LBB2_23:
0x153: {  	s18 =	sadd.s32 $0x1, s18  }
0x154: {  	p0 =	sne.s32 s18, $0x80  }
.Ltmp13:
0x155: {  	_ = 	snop;
	(pc) =	sbr.rel @!p0 .LBB2_24-.Ltmp13, $1  }
0x156: {  	_ =	sdelay $0x3  }
.LBB2_14:
0x157: {  	s2 =	sld [smem:s18+$0x0]  }
0x158: {  	v3 =	vld.msk [tilespmem:s18+$0x0 ss:$0x0], $0xffff  }
0x159: {  	v4 =	vld.msk [tilespmem:s18+$0x100 ss:$0x0], $0xffff;
	s0 =	sshll.u32 s18, $0x7  }
0x15a: {  	v5 =	vld.msk [tilespmem:s18+$0x200 ss:$0x0], $0xffff;
	p0 =	por $0x1, $0x1;
	s19 =	simm.s32 $0x0;
	s4 =	simm.s32 $0x0;
	v6 =	vmov s2  }
.LBB2_15:
0x15b: {  	s2 =	sor.u32 s0, s4  }
0x15c: {  	v7 =	vld [tilespmem:s2+$0x10600];
	_ =	sdelay $0x3  }
0x15d: {  	v8 =	vor.u32 s4, v1  }
0x15e: {  	vm0 =	vlt.s32 v8, v6;
	vm1 =	vle.f32 v7, $3.500000000e+00  }
0x15f: {  	vm0 =	vmand vm0, vm1  }
0x160: {  	v8 =	vsel vm0, $0x1, v2  }
0x161: {  	(xrf0) =	vadd.scan.msk.s32 $0xffff, v8;
	_ =	sdelay $0x1  }
0x162: {  	v8 =	vmul.f32 $4.487989540e-01, v7;
	_ =	sdelay $0x1  }
0x163: {  	v8 =	vmul.f32 v8, v8;
	_ =	sdelay $0x1  }
0x164: {  	v9 =	vmul.f32 $-2.611502340e-07, v8;
	v10, _, _ =	vpop (xrf0)  }
0x165: {  	v11 =	vxor.u32 $0x80000000, v10  }
0x166: {  	v9 =	vadd.f32 $2.476377090e-05, v9;
	(xrf0) =	vmax.scan.msk.u32 $0xffff, v11;
	_ =	sdelay $0x1  }
0x167: {  	v9 =	vmul.f32 v9, v8;
	_ =	sdelay $0x1  }
0x168: {  	v60 =	vld [tilespmem:s2+$0x14600];
	v9 =	vadd.f32 $-1.388843290e-03, v9;
	_ =	sdelay $0x1  }
0x169: {  	v9 =	vmul.f32 v9, v8;
	v12, _, _ =	vpop (xrf0)  }
0x16a: {  	(v2sf) =	vpush v12, $0xF  }
0x16b: {  	v9 =	vadd.f32 $4.166664180e-02, v9  }
0x16c: {  	v11 =	vnsel vm0, $0x0, v60  }
0x16d: {  	v61 =	vmov s19;
	v9 =	vmul.f32 v9, v8  }
0x16e: {  	v12 =	vadd.s32 $0xFFFFFFFF, v61  }
0x16f: {  	v12 =	vbroadcast v12, $0x0;
	v9 =	vadd.f32 $-5.000000000e-01, v9;
	_ =	sdelay $0x1  }
0x170: {  	v62 =	vld.idx.msk [tilespmem:v11+s7+$0x0], $0xffff;
	v10 =	vadd.s32 v10, v12;
	v8 =	vmul.f32 v9, v8  }
0x171: {  	v63 =	vld.idx.msk [tilespmem:v11+s20+$0x0], $0xffff  }
0x172: {  	v13 =	vld.idx.msk [tilespmem:v11+s21+$0x0], $0xffff;
	v8 =	vadd.f32 $1.000000000e+00, v8;
	_ =	sdelay $0x1  }
0x173: {  	v8 =	vmul.f32 v8, v8  }
0x174: {  	p1 =	por p0, p0;
	v11 =	vld.idx.msk [tilespmem:v11+s22+$0x0], $0xffff;
	v9 =	vsub.f32 v3, v62;
	[tilespmem:v10+s25+$0x0] =	vst.idx.msk vm0, v7  }
.Ltmp14:
0x175: {  	v7 =	vsub.f32 v4, v63;
	[tilespmem:v10+s26+$0x0] =	vst.idx.msk vm0, v8;
	(pc) =	sbr.rel @p1 .LBB2_15-.Ltmp14, $4  }
0x176: {  	v8 =	vsub.f32 v5, v13;
	[tilespmem:v10+s28+$0x0] =	vst.idx.msk vm0, v9  }
0x177: {  	[tilespmem:v10+s29+$0x0] =	vst.idx.msk vm0, v7;
	s3 =	spop (v2sf)  }
0x178: {  	s2 =	smov.u32 s19;
	[tilespmem:v10+s30+$0x0] =	vst.idx.msk vm0, v8;
	s19 =	sadd.s32 s3, s19  }
0x179: {  	s4 =	simm.s32 $0x10;
	p0 =	por $0x0, $0x0;
	[tilespmem:v10+s31+$0x0] =	vst.idx.msk vm0, v11;
	s19 =	sadd.s32 $0x80000000, s19  }
0x17a: {  	p0 =	slt.s32 s19, $0x1  }
.Ltmp15:
0x17b: {  	_ = 	snop;
	(pc) =	sbr.rel @p0 .LBB2_23-.Ltmp15, $1  }
0x17c: {  	_ =	sdelay $0x3  }
0x17d: {  	s4 =	sshrl.u32 s18, $0x3  }
0x17e: {  	s4 =	smul.u32 $0x3000, s4  }
.Ltmp16:
0x17f: {  	s0 =	sand.u32 $0x380, s0;
	(pc) =	sbr.rel .LBB2_19-.Ltmp16, $4  }
0x180: {  	v3 =	vmov s0  }
0x181: {  	s4 =	sshra.s32 s4, $0x2  }
0x182: {  	s2 =	sadd.s32 s2, s3;
	s11 =	simm.s32 $0x0;
	s4 =	sadd.s32 $0x4600, s4  }
0x183: {  	s8 =	sadd.s32 $0x7FFFFFFF, s2;
	s2 =	simm.s32 $0x4;
	[dreg:$0xc] =	wrdreg s4  }
.LBB2_22:
0x184: {  	_ =	sdelay $0x3  }
0x185: {  	[tilespmem:v3+s3+$0x10 ss:$0x1] =	vst.idx.msk $0xffff, v4  }
.LBB2_18:
0x186: {  	p0 =	seq.s32 s11, s19  }
.Ltmp17:
0x187: {  	_ = 	snop;
	(pc) =	sbr.rel @p0 .LBB2_23-.Ltmp17, $2  }
0x188: {  	_ =	sdelay $0x2  }
0x189: {  	s8 =	sadd.s32 $0xFFFFFFFF, s8;
	s2 =	sadd.s32 $0x4, s2  }
.LBB2_19:
0x18a: {  	v4 =	vld [tilespmem:s11+$0x18600]  }
0x18b: {  	v5 =	vld [tilespmem:s11+$0x18700]  }
0x18c: {  	v6 =	vld [tilespmem:s11+$0x18780]  }
0x18d: {  	v7 =	vld [tilespmem:s11+$0x18800]  }
0x18e: {  	v8 =	vld [tilespmem:s11+$0x18880]  }
0x18f: {  	(v2sf) =	vpush v4, $0x0  }
0x190: {  	(v2sf) =	vpush v5, $0x0  }
0x191: {  	(v2sf) =	vpush v6, $0x0  }
0x192: {  	(v2sf) =	vpush v7, $0x0  }
0x193: {  	(v2sf) =	vpush v8, $0x0;
	_ =	sdelay $0x8  }
0x194: {  	s0 =	smov.u32 s11;
	s11 =	sadd.s32 $0x1, s11  }
0x195: {  	p0 =	sge.s32 s11, s19  }
.Ltmp18:
0x196: {  	s14 =	spop (v2sf);
	(pc) =	sbr.rel @p0 .LBB2_18-.Ltmp18, $4  }
0x197: {  	s3 =	spop (v2sf)  }
0x198: {  	s4 =	spop (v2sf);
	[dreg:$0x8] =	wrdreg s3  }
0x199: {  	[dreg:$0x9] =	wrdreg s4;
	s12 =	spop (v2sf)  }
0x19a: {  	[dreg:$0xa] =	wrdreg s12;
	s5 =	spop (v2sf)  }
0x19b: {  	v4 =	vld [tilespmem:s0+$0x18680];
	s3 =	sshra.s32 s2, $0x2  }
0x19c: {  	v5 =	vld [tilespmem:s3+$0x18600];
	_ =	sdelay $0x3  }
0x19d: {  	(v2sf) =	vpush v4, $0x0  }
0x19e: {  	v4 =	vld [tilespmem:s3+$0x18780];
	(v2sf) =	vpush v5, $0x0  }
0x19f: {  	v5 =	vld [tilespmem:s3+$0x18700];
	_ =	sdelay $0x1  }
0x1a0: {  	v6 =	vld [tilespmem:s3+$0x18800];
	_ =	sdelay $0x1  }
0x1a1: {  	(v2sf) =	vpush v4, $0x0  }
0x1a2: {  	(v2sf) =	vpush v5, $0x0;
	_ =	sdelay $0x1  }
0x1a3: {  	(v2sf) =	vpush v6, $0x0;
	_ =	sdelay $0x5  }
0x1a4: {  	s0 =	spop (v2sf)  }
0x1a5: {  	s4 =	spop (v2sf)  }
0x1a6: {  	s10 =	smul.f32 s4, s14;
	_ =	sdelay $0x1  }
0x1a7: {  	s10 =	smax.f32 s10, $9.999999930e-09  }
0x1a8: {  	s6 =	rddreg [dreg:$0x9];
	v4 =	vmov s10  }
0x1a9: {  	s1 =	rddreg [dreg:$0x8];
	s9 =	spop (v2sf);
	(erf) = vrcp.f32 v4  }
0x1aa: {  	s6 =	smul.f32 s9, s6;
	s12 =	spop (v2sf)  }
0x1ab: {  	s1 =	smul.f32 s12, s1  }
0x1ac: {  	s10 =	rddreg [dreg:$0xa];
	s12 =	spop (v2sf)  }
0x1ad: {  	s9 =	smul.f32 s12, s10;
	s1 =	sadd.f32 s6, s1  }
0x1ae: {  	_ = 	snop  }
0x1af: {  	s1 =	sadd.f32 s9, s1;
	_ =	sdelay $0x1  }
0x1b0: {  	s1 =	smul.f32 $9.499999880e-01, s1  }
0x1b1: {  	v4 =	vpop (erf)  }
0x1b2: {  	v4 =	vmul.f32 s1, v4;
	_ =	sdelay $0x1  }
0x1b3: {  	v5 =	vmul.f32 v4, v4;
	_ =	sdelay $0x1  }
0x1b4: {  	v5 =	vsub.f32 $1.000000000e+00, v5;
	_ =	sdelay $0x1  }
0x1b5: {  	v5 =	vmax.f32 v5, $9.999999680e-21  }
0x1b6: {  	v6 =	vshra.s32 v5, $0x1;
	v7 =	vmul.f32 $5.000000000e-01, v5  }
0x1b7: {  	v6 =	vsub.s32 $0x5F3759DF, v6  }
0x1b8: {  	v8 =	vmul.f32 v6, v7;
	_ =	sdelay $0x1  }
0x1b9: {  	v8 =	vmul.f32 v6, v8;
	_ =	sdelay $0x1  }
0x1ba: {  	v8 =	vsub.f32 $1.500000000e+00, v8;
	_ =	sdelay $0x1  }
0x1bb: {  	v6 =	vmul.f32 v6, v8;
	_ =	sdelay $0x1  }
0x1bc: {  	v8 =	vmul.f32 v6, v7;
	_ =	sdelay $0x1  }
0x1bd: {  	v8 =	vmul.f32 v8, v6  }
0x1be: {  	v9 =	vld [tilespmem:s3+$0x18880]  }
0x1bf: {  	v8 =	vsub.f32 $1.500000000e+00, v8;
	_ =	sdelay $0x1  }
0x1c0: {  	v6 =	vmul.f32 v8, v6;
	_ =	sdelay $0x1  }
0x1c1: {  	(v2sf) =	vpush v9, $0x0;
	v7 =	vmul.f32 v6, v7;
	_ =	sdelay $0x1  }
0x1c2: {  	v7 =	vmul.f32 v7, v6  }
0x1c3: {  	v60 =	vld [tilespmem:$0x500]  }
0x1c4: {  	v61 =	vld [tilespmem:$0x480];
	v7 =	vsub.f32 $1.500000000e+00, v7  }
0x1c5: {  	v10 =	vld [tilespmem:s3+$0x18680]  }
0x1c6: {  	v6 =	vmul.f32 v7, v6  }
0x1c7: {  	v7 =	vld [tilespmem:$0x580]  }
0x1c8: {  	s10 =	sadd.f32 s4, s14;
	v5 =	vmul.f32 v6, v5;
	_ =	sdelay $0x1  }
0x1c9: {  	(v2sf) =	vpush v10, $0x0;
	s1 =	smul.f32 $5.000000000e-01, s10;
	v6 =	vmul.f32 v4, v61;
	v8 =	vmul.f32 v5, v60;
	_ =	sdelay $0x1  }
0x1ca: {  	v7 =	vsub.f32 s1, v7;
	v6 =	vadd.f32 v8, v6;
	_ =	sdelay $0x1  }
0x1cb: {  	v7 =	vmul.f32 v7, v7;
	v6 =	vmul.f32 $5.000000000e-01, v6  }
0x1cc: {  	s3 =	spop (v2sf)  }
0x1cd: {  	p0 =	slt.s32 s5, s3;
	s4 =	smov.u32 s3;
	v7 =	vmul.f32 $-8.000000000e+00, v7;
	v6 =	vadd.f32 $5.000000000e-01, v6  }
0x1ce: {  	s4 =	smov.u32 @p0 s5  }
0x1cf: {  	s12 =	sadd.s32 $0x1, s4;
	v7 =	vmul.f32 $1.442695020e+00, v7;
	v6 =	vmul.f32 v6, v6  }
0x1d0: {  	p0 =	sgt.s32 s5, s3;
	s6 =	smul.u32 s4, s12  }
0x1d1: {  	s0 =	sadd.f32 s0, s0;
	s3 =	smov.u32 @p0 s5;
	s4 =	sshll.u32 s4, $0x2;
	(erf) = vpow2.f32 v7;
	v6 =	vmul.f32 v6, v6  }
0x1d2: {  	s9 =	sadd.s32 s3, s4;
	s10 =	sshrl.u32 s6, $0x1  }
0x1d3: {  	[dreg:$0xb] =	wrdreg s0;
	s0 =	ssub.s32 s9, s10;
	v6 =	vmul.f32 v6, v6  }
0x1d4: {  	s12 =	rddreg [dreg:$0xc];
	s6 =	sshll.u32 s0, $0x8  }
0x1d5: {  	s9 =	rddreg [dreg:$0xb];
	s0 =	sshll.u32 s0, $0x5;
	s4 =	sand.u32 $0xFFFFFC00, s6;
	v6 =	vmul.f32 v6, v6  }
0x1d6: {  	s10 =	spop (v2sf);
	s0 =	sand.u32 $0x60, s0;
	s3 =	sadd.s32 s4, s12  }
0x1d7: {  	s12 =	smul.f32 s10, s9;
	s3 =	sadd.s32 s0, s3;
	v6 =	vmul.f32 v6, v6  }
0x1d8: {  	v7 =	vld.idx.msk [tilespmem:v3+s3+$0x0 ss:$0x1], $0xffff  }
0x1d9: {  	v6 =	vmul.f32 s12, v6  }
0x1da: {  	v62 =	vpop (erf)  }
0x1db: {  	v6 =	vmul.f32 v6, v62;
	_ =	sdelay $0x1  }
0x1dc: {  	v6 =	vadd.f32 v6, v7;
	_ =	sdelay $0x1  }
0x1dd: {  	[tilespmem:v3+s3+$0x0 ss:$0x1] =	vst.idx.msk $0xffff, v6  }
0x1de: {  	v6 =	vld [tilespmem:$0x490]  }
0x1df: {  	v7 =	vld [tilespmem:$0x510];
	_ =	sdelay $0x1  }
0x1e0: {  	v63 =	vld [tilespmem:$0x590];
	_ =	sdelay $0x2  }
0x1e1: {  	v4 =	vmul.f32 v6, v4;
	v5 =	vmul.f32 v5, v7;
	_ =	sdelay $0x1  }
0x1e2: {  	v6 =	vsub.f32 s1, v63;
	v4 =	vadd.f32 v5, v4;
	_ =	sdelay $0x1  }
0x1e3: {  	v5 =	vmul.f32 v6, v6;
	v4 =	vmul.f32 $5.000000000e-01, v4;
	_ =	sdelay $0x1  }
0x1e4: {  	v5 =	vmul.f32 $-8.000000000e+00, v5;
	v4 =	vadd.f32 $5.000000000e-01, v4;
	_ =	sdelay $0x1  }
0x1e5: {  	v5 =	vmul.f32 $1.442695020e+00, v5;
	v4 =	vmul.f32 v4, v4;
	_ =	sdelay $0x1  }
0x1e6: {  	(erf) = vpow2.f32 v5;
	v4 =	vmul.f32 v4, v4;
	_ =	sdelay $0x1  }
0x1e7: {  	v4 =	vmul.f32 v4, v4;
	_ =	sdelay $0x1  }
0x1e8: {  	v4 =	vmul.f32 v4, v4;
	_ =	sdelay $0x1  }
0x1e9: {  	v4 =	vmul.f32 v4, v4  }
0x1ea: {  	p0 =	seq.s32 s8, $0x1;
	v5 =	vld.idx.msk [tilespmem:v3+s3+$0x10 ss:$0x1], $0xffff  }
.Ltmp19:
0x1eb: {  	v4 =	vmul.f32 s12, v4;
	(pc) =	sbr.rel @p0 .LBB2_22-.Ltmp19, $3  }
0x1ec: {  	v6 =	vpop (erf)  }
0x1ed: {  	v4 =	vmul.f32 v4, v6;
	_ =	sdelay $0x1  }
0x1ee: {  	s10 =	smov.u32 s2;
	s0 =	sadd.s32 $0xFFFFFFFF, s8;
	v4 =	vadd.f32 v4, v5  }
.LBB2_21:
0x1ef: {  	s10 =	sadd.s32 $0x4, s10  }
0x1f0: {  	[tilespmem:v3+s3+$0x10 ss:$0x1] =	vst.idx.msk $0xffff, v4;
	s4 =	sshra.s32 s10, $0x2  }
0x1f1: {  	v4 =	vld [tilespmem:s4+$0x18600];
	_ =	sdelay $0x4  }
0x1f2: {  	v5 =	vld [tilespmem:s4+$0x18780];
	(v2sf) =	vpush v4, $0x0  }
0x1f3: {  	v4 =	vld [tilespmem:s4+$0x18700];
	_ =	sdelay $0x1  }
0x1f4: {  	v6 =	vld [tilespmem:s4+$0x18800];
	_ =	sdelay $0x1  }
0x1f5: {  	(v2sf) =	vpush v5, $0x0  }
0x1f6: {  	(v2sf) =	vpush v4, $0x0;
	_ =	sdelay $0x1  }
0x1f7: {  	(v2sf) =	vpush v6, $0x0;
	_ =	sdelay $0x6  }
0x1f8: {  	s1 =	spop (v2sf)  }
0x1f9: {  	s6 =	smul.f32 s1, s14;
	_ =	sdelay $0x1  }
0x1fa: {  	s9 =	rddreg [dreg:$0x8];
	s6 =	smax.f32 s6, $9.999999930e-09  }
0x1fb: {  	s3 =	sadd.f32 s1, s14;
	v4 =	vmov s6  }
0x1fc: {  	s1 =	rddreg [dreg:$0x9];
	s12 =	spop (v2sf);
	(erf) = vrcp.f32 v4  }
0x1fd: {  	s1 =	smul.f32 s12, s1;
	s12 =	spop (v2sf)  }
0x1fe: {  	s9 =	smul.f32 s12, s9  }
0x1ff: {  	s6 =	rddreg [dreg:$0xa];
	s12 =	spop (v2sf)  }
0x200: {  	s6 =	smul.f32 s12, s6;
	s1 =	sadd.f32 s1, s9  }
0x201: {  	_ = 	snop  }
0x202: {  	s1 =	sadd.f32 s6, s1;
	_ =	sdelay $0x1  }
0x203: {  	s1 =	smul.f32 $9.499999880e-01, s1  }
0x204: {  	v4 =	vpop (erf)  }
0x205: {  	v4 =	vmul.f32 s1, v4;
	_ =	sdelay $0x1  }
0x206: {  	v5 =	vmul.f32 v4, v4;
	_ =	sdelay $0x1  }
0x207: {  	v5 =	vsub.f32 $1.000000000e+00, v5;
	_ =	sdelay $0x1  }
0x208: {  	v5 =	vmax.f32 v5, $9.999999680e-21  }
0x209: {  	v6 =	vshra.s32 v5, $0x1;
	v7 =	vmul.f32 $5.000000000e-01, v5  }
0x20a: {  	v6 =	vsub.s32 $0x5F3759DF, v6  }
0x20b: {  	v8 =	vmul.f32 v6, v7;
	_ =	sdelay $0x1  }
0x20c: {  	v8 =	vmul.f32 v6, v8;
	_ =	sdelay $0x1  }
0x20d: {  	v8 =	vsub.f32 $1.500000000e+00, v8;
	_ =	sdelay $0x1  }
0x20e: {  	v6 =	vmul.f32 v6, v8;
	_ =	sdelay $0x1  }
0x20f: {  	v8 =	vmul.f32 v6, v7;
	_ =	sdelay $0x1  }
0x210: {  	v8 =	vmul.f32 v8, v6  }
0x211: {  	v9 =	vld [tilespmem:s4+$0x18880]  }
0x212: {  	v8 =	vsub.f32 $1.500000000e+00, v8;
	_ =	sdelay $0x1  }
0x213: {  	v6 =	vmul.f32 v8, v6;
	_ =	sdelay $0x1  }
0x214: {  	(v2sf) =	vpush v9, $0x0;
	v7 =	vmul.f32 v6, v7;
	_ =	sdelay $0x1  }
0x215: {  	v7 =	vmul.f32 v7, v6  }
0x216: {  	v60 =	vld [tilespmem:$0x500]  }
0x217: {  	v61 =	vld [tilespmem:$0x480];
	v7 =	vsub.f32 $1.500000000e+00, v7  }
0x218: {  	v10 =	vld [tilespmem:s4+$0x18680]  }
0x219: {  	v6 =	vmul.f32 v7, v6  }
0x21a: {  	v7 =	vld [tilespmem:$0x580]  }
0x21b: {  	v5 =	vmul.f32 v6, v5;
	_ =	sdelay $0x1  }
0x21c: {  	s4 =	smul.f32 $5.000000000e-01, s3;
	(v2sf) =	vpush v10, $0x0;
	v6 =	vmul.f32 v4, v61;
	v8 =	vmul.f32 v5, v60;
	_ =	sdelay $0x1  }
0x21d: {  	v7 =	vsub.f32 s4, v7;
	v6 =	vadd.f32 v8, v6;
	_ =	sdelay $0x1  }
0x21e: {  	v7 =	vmul.f32 v7, v7;
	v6 =	vmul.f32 $5.000000000e-01, v6  }
0x21f: {  	s1 =	spop (v2sf)  }
0x220: {  	p1 =	slt.s32 s5, s1;
	s3 =	smov.u32 s1;
	v7 =	vmul.f32 $-8.000000000e+00, v7;
	v6 =	vadd.f32 $5.000000000e-01, v6  }
0x221: {  	s3 =	smov.u32 @p1 s5  }
0x222: {  	s12 =	sadd.s32 $0x1, s3;
	v7 =	vmul.f32 $1.442695020e+00, v7;
	v6 =	vmul.f32 v6, v6  }
0x223: {  	p2 =	sgt.s32 s5, s1;
	s6 =	sshll.u32 s3, $0x2;
	s3 =	smul.u32 s3, s12  }
0x224: {  	s1 =	smov.u32 @p2 s5;
	(erf) = vpow2.f32 v7;
	v6 =	vmul.f32 v6, v6  }
0x225: {  	s1 =	sadd.s32 s1, s6;
	s3 =	sshrl.u32 s3, $0x1  }
0x226: {  	s1 =	ssub.s32 s1, s3;
	v6 =	vmul.f32 v6, v6  }
0x227: {  	s9 =	rddreg [dreg:$0xb];
	s12 =	sshll.u32 s1, $0x5;
	s1 =	sshll.u32 s1, $0x8  }
0x228: {  	s3 =	rddreg [dreg:$0xc];
	s1 =	sand.u32 $0xFFFFFC00, s1;
	v6 =	vmul.f32 v6, v6  }
0x229: {  	s6 =	sand.u32 $0x60, s12;
	s12 =	spop (v2sf);
	s1 =	sadd.s32 s1, s3  }
0x22a: {  	s3 =	sadd.s32 s6, s1;
	s1 =	smul.f32 s12, s9;
	v6 =	vmul.f32 v6, v6  }
0x22b: {  	v7 =	vld.idx.msk [tilespmem:v3+s3+$0x0 ss:$0x1], $0xffff  }
0x22c: {  	v6 =	vmul.f32 s1, v6  }
0x22d: {  	v62 =	vpop (erf)  }
0x22e: {  	v6 =	vmul.f32 v6, v62;
	_ =	sdelay $0x1  }
0x22f: {  	v6 =	vadd.f32 v6, v7;
	_ =	sdelay $0x1  }
0x230: {  	[tilespmem:v3+s3+$0x0 ss:$0x1] =	vst.idx.msk $0xffff, v6  }
0x231: {  	v6 =	vld [tilespmem:$0x490]  }
0x232: {  	v7 =	vld [tilespmem:$0x510];
	_ =	sdelay $0x1  }
0x233: {  	v63 =	vld [tilespmem:$0x590];
	_ =	sdelay $0x2  }
0x234: {  	v4 =	vmul.f32 v6, v4;
	v5 =	vmul.f32 v5, v7;
	_ =	sdelay $0x1  }
0x235: {  	v6 =	vsub.f32 s4, v63;
	v4 =	vadd.f32 v5, v4;
	_ =	sdelay $0x1  }
0x236: {  	v5 =	vmul.f32 v6, v6;
	v4 =	vmul.f32 $5.000000000e-01, v4;
	_ =	sdelay $0x1  }
0x237: {  	v5 =	vmul.f32 $-8.000000000e+00, v5;
	v4 =	vadd.f32 $5.000000000e-01, v4;
	_ =	sdelay $0x1  }
0x238: {  	v5 =	vmul.f32 $1.442695020e+00, v5;
	v4 =	vmul.f32 v4, v4;
	_ =	sdelay $0x1  }
0x239: {  	(erf) = vpow2.f32 v5;
	v4 =	vmul.f32 v4, v4;
	_ =	sdelay $0x1  }
0x23a: {  	v4 =	vmul.f32 v4, v4;
	_ =	sdelay $0x1  }
0x23b: {  	v4 =	vmul.f32 v4, v4;
	_ =	sdelay $0x1  }
0x23c: {  	v4 =	vmul.f32 v4, v4  }
0x23d: {  	p0 =	seq.s32 s0, $0x1;
	v5 =	vld.idx.msk [tilespmem:v3+s3+$0x10 ss:$0x1], $0xffff  }
.Ltmp20:
0x23e: {  	v4 =	vmul.f32 s1, v4;
	(pc) =	sbr.rel @!p0 .LBB2_21-.Ltmp20, $3  }
0x23f: {  	v6 =	vpop (erf)  }
0x240: {  	v4 =	vmul.f32 v4, v6;
	_ =	sdelay $0x1  }
0x241: {  	s0 =	sadd.s32 $0xFFFFFFFF, s0;
	v4 =	vadd.f32 v4, v5  }
.Ltmp21:
0x242: {  	_ = 	snop;
	(pc) =	sbr.rel .LBB2_22-.Ltmp21, $1  }
0x243: {  	_ =	sdelay $0x3  }
.LBB2_26:
0x244: {  	_ =	sfence.sel $0x180000  }
0x245: {  	[bflag:$0x0] =	sbarrier.arrive $0xFFFF  }
0x246: {  	_ =	strace $0x90000047  }
0x247: {  	s0 =	stileid.u32;
	[bflag:$0x2] =	sbarrier.arrive $0xFFFF  }
0x248: {  	p0 =	sne.s32 s0, $0x0;
	s0 =	rddreg [dreg:$0x7]  }
0x249: {  	s0 =	sadd.s32 @!p0 $0x100000, s0  }
0x24a: {  	[sflag:s0] =	ssyncadd.tile.s32 @!p0 $0x1;
	_ =	shalt  }
.Lfunc_end2:
_tile_overlayer_lowered:
.L_overlay_start_2:
0x24b: {  	(tag) =	ssettag $0x2  }
0x24c: {  	s0 =	rddreg [dreg:$0x0];
	s2 =	stileid.u32  }
0x24d: {  	s1 =	rddreg [dreg:$0x1];
	p0 =	sne.s32 s2, $0x0  }
0x24e: {  	s3 =	rddreg [dreg:$0x2];
	[bflag:$0x3] =	sbarrier.arrive $0xFFFF;
	s2 =	simm.s32 @!p0 $0x1C01  }
0x24f: {  	[timem:s3], [sflag:s2] =	dma.local @!p0 [hbm:s0], s1  }
0x250: {  	s0 =	simm.s32 @!p0 $0x1  }
0x251: {  	_ =	swait.ge @!p0 [sflag:s0], s1  }
0x252: {  	s1 =	ssub.s32 @!p0 $0x0, s1;
	[sflag:s0] =	ssyncset.done @!p0 $0x0  }
0x253: {  	[sflag:s0] =	ssyncadd.s32 @!p0 s1  }
0x254: {  	[bflag:$0x3] =	sbarrier.arrive $0xFFFF  }
0x255: {  	_ =	shalt  }

</sc_bundles>
